<compile_context>
chip_gen: v7x
topology: tpu7x:2x2x1
jax: 0.10.2.dev20260603
libtpu: 0.0.44.dev20260713+nightly
codegen_flags: <defaults>
</compile_context>

<pallas_src>
import functools

import jax
import jax.numpy as jnp
from jax import lax
from jax.experimental import pallas as pl
from jax.experimental.pallas import tpu as pltpu
from jax.experimental.pallas import tpu_sc as plsc

_EPS = 1e-05
_N = 100000
_C = 512
_NW = 32
_ROWS_W = _N // _NW
_CHUNK = 125
_NCHUNK = _ROWS_W // _CHUNK
_VPR = _C // 16


_GDN = lax.GatherDimensionNumbers(
    offset_dims=(), collapsed_slice_dims=(0,), start_index_map=(0,))


def _lane_shuffle(v, idx):
    return lax.gather(v, idx[:, None], _GDN, (1,),
                      mode=lax.GatherScatterMode.PROMISE_IN_BOUNDS)


def _allreduce_sum(v):
    lane = lax.iota(jnp.int32, 16)
    for k in (8, 4, 2, 1):
        v = v + _lane_shuffle(v, lane ^ k)
    return v


def _rsqrt_newton(x):
    i = lax.bitcast_convert_type(x, jnp.int32)
    i = jnp.int32(0x5F3759DF) - lax.shift_right_logical(i, 1)
    y = lax.bitcast_convert_type(i, jnp.float32)
    half = jnp.float32(0.5) * x
    for _ in range(3):
        y = y * (jnp.float32(1.5) - half * y * y)
    return y


def _tec_body(x_hbm, w_hbm, b_hbm, o_hbm, wv, bv, xb):
    wid = lax.axis_index("s") * 2 + lax.axis_index("c")
    base = wid * _ROWS_W
    pltpu.sync_copy(w_hbm, wv)
    pltpu.sync_copy(b_hbm, bv)

    def chunk_body(ci, _):
        row0 = base + ci * _CHUNK
        pltpu.sync_copy(x_hbm.at[pl.ds(row0 * _C, _CHUNK * _C)], xb)

        def row_body(r, _):
            off = r * _C
            vs = [xb[pl.ds(off + j * 16, 16)] for j in range(_VPR)]
            s = z = jnp.zeros((16,), jnp.float32)
            q = z
            for v in vs:
                s = s + v
                q = q + v * v
            ssum = _allreduce_sum(s)
            qsum = _allreduce_sum(q)
            mean = ssum * jnp.float32(1.0 / _C)
            var = qsum * jnp.float32(1.0 / _C) - mean * mean
            inv = _rsqrt_newton(var + jnp.float32(_EPS))
            shift = mean * inv
            for j, v in enumerate(vs):
                wsl = pl.ds(j * 16, 16)
                xb[pl.ds(off + j * 16, 16)] = (
                    (v * inv - shift) * wv[wsl] + bv[wsl])
            return 0

        lax.fori_loop(0, _CHUNK, row_body, 0)
        pltpu.sync_copy(xb, o_hbm.at[pl.ds(row0 * _C, _CHUNK * _C)])
        return 0

    lax.fori_loop(0, _NCHUNK, chunk_body, 0)


def kernel(input, weight, bias):
    n, c = input.shape
    mesh = plsc.VectorSubcoreMesh(core_axis_name="c", subcore_axis_name="s")
    k = functools.partial(
        pl.kernel,
        mesh=mesh,
        out_type=jax.ShapeDtypeStruct((n * c,), jnp.float32),
        scratch_types=[
            pltpu.VMEM((_C,), jnp.float32),
            pltpu.VMEM((_C,), jnp.float32),
            pltpu.VMEM((_CHUNK * _C,), jnp.float32),
        ],
    )(_tec_body)
    return k(input.reshape(n * c), weight, bias).reshape(n, c)

# --- scband reference (transcript-rebuilt; emitter-appended) ---
"""Pipeline reference for scband-stfn-26465588478207 (READ-ONLY COPY).

The authoritative reference and input builder live on the scoring server;
editing this copy changes nothing except your own understanding.
"""

import jax, jax.numpy as jnp
import numpy as np

N_NODES = 100000
NUM_FEATURES = 512
EPS = 1e-05
RHO = 1.0
V_TH = 1.0


def setup_inputs(seed: int = 0) -> dict:
    key = jax.random.key(seed)
    k1, _ = jax.random.split(key)
    x = jax.random.normal(k1, (N_NODES, NUM_FEATURES), dtype=jnp.float32)
    # BatchNorm1d default affine init: weight = 1, bias = 0
    weight = jnp.ones((NUM_FEATURES,), dtype=jnp.float32)
    bias = jnp.zeros((NUM_FEATURES,), dtype=jnp.float32)
    return {"input": x, "weight": weight, "bias": bias}


def reference(input, weight, bias):
    # STFNorm.forward with a fresh (reset) cache: _cached_input == [input]
    # membrane_potential = stack([input]) -> [T=1, N, C]
    membrane_potential = input[None, :, :]
    # mean/var over (time, channel) dims, keepdim -> [1, N, 1]
    mean = jnp.mean(membrane_potential, axis=(0, 2), keepdims=True)
    var = jnp.var(membrane_potential, axis=(0, 2), keepdims=True)  # unbiased=False == jnp default
    # squeeze time dim and broadcast over channels (torch uses .repeat(1, C), equivalent to broadcast)
    mean = jnp.squeeze(mean, axis=0)  # [N, 1]
    var = jnp.squeeze(var, axis=0)    # [N, 1]
    out = RHO * V_TH * (input - mean) / jnp.sqrt(var + EPS)
    # affine (per-channel)
    out = out * weight[None, :] + bias[None, :]
    return out

if __name__ == "__main__":
    import jax
    _d = setup_inputs()
    print(jax.jit(kernel)(*tuple(_d.values())))

</pallas_src>

<mosaic_0001>
#map = affine_map<(d0, d1) -> (0)>
module attributes {stable_mosaic.version = 14 : i64} {
  func.func @_tec_body(%arg0: i32, %arg1: i32, %arg2: memref<51200000xf32, #tpu.memory_space<hbm>>, %arg3: memref<512xf32, #tpu.memory_space<hbm>>, %arg4: memref<512xf32, #tpu.memory_space<hbm>>, %arg5: memref<51200000xf32, #tpu.memory_space<hbm>>, %arg6: memref<512xf32, #tpu.memory_space<vmem>>, %arg7: memref<512xf32, #tpu.memory_space<vmem>>, %arg8: memref<64000xf32, #tpu.memory_space<vmem>>) attributes {dimension_semantics = [#tpu.dimension_semantics<core_parallel>, #tpu.dimension_semantics<subcore_parallel>], iteration_bounds = array<i64: 2, 16>, scalar_prefetch = 0 : i64, scratch_operands = 3 : i64, tpu.core_type = #tpu.core_type<sc_vector_subcore>, window_params = [{transform_indices = #map}, {transform_indices = #map}, {transform_indices = #map}, {transform_indices = #map}]} {
    %mul3A = arith.constant 2 : i32
    %mul3A_0 = arith.muli %arg1, %mul3A : i32
    %add3A = arith.addi %mul3A_0, %arg0 : i32
    %mul3A_1 = arith.constant 3125 : i32
    %mul3A_2 = arith.muli %add3A, %mul3A_1 : i32
    "tpu.region"() ({
      %run_scoped3A = tpu.sem_alloc : memref<!tpu.dma_semaphore, #tpu.memory_space<semaphore_mem>>
      tpu.enqueue_dma source(%arg3 : memref<512xf32, #tpu.memory_space<hbm>>) target(%arg6 : memref<512xf32, #tpu.memory_space<vmem>>) target_semaphore(%run_scoped3A : memref<!tpu.dma_semaphore, #tpu.memory_space<semaphore_mem>>)
      tpu.wait_dma2 semaphore(%run_scoped3A : memref<!tpu.dma_semaphore, #tpu.memory_space<semaphore_mem>>) src(%arg3 : memref<512xf32, #tpu.memory_space<hbm>>) dst(%arg6 : memref<512xf32, #tpu.memory_space<vmem>>)
      tpu.yield
    }) : () -> ()
    "tpu.region"() ({
      %run_scoped3A = tpu.sem_alloc : memref<!tpu.dma_semaphore, #tpu.memory_space<semaphore_mem>>
      tpu.enqueue_dma source(%arg4 : memref<512xf32, #tpu.memory_space<hbm>>) target(%arg7 : memref<512xf32, #tpu.memory_space<vmem>>) target_semaphore(%run_scoped3A : memref<!tpu.dma_semaphore, #tpu.memory_space<semaphore_mem>>)
      tpu.wait_dma2 semaphore(%run_scoped3A : memref<!tpu.dma_semaphore, #tpu.memory_space<semaphore_mem>>) src(%arg4 : memref<512xf32, #tpu.memory_space<hbm>>) dst(%arg7 : memref<512xf32, #tpu.memory_space<vmem>>)
      tpu.yield
    }) : () -> ()
    %scan3A = arith.constant 0 : i32
    %scan3A_3 = arith.constant 0 : i32
    %scan3A_4 = arith.constant 25 : i32
    %scan3A_5 = arith.addi %scan3A_3, %scan3A_4 : i32
    %scan3A_6 = arith.constant 1 : i32
    %scan3A_7 = scf.for %scan3A_9 = %scan3A_3 to %scan3A_5 step %scan3A_6 iter_args(%scan3A_10 = %scan3A) -> (i32)  : i32 {
      %mul3A_11 = arith.constant 125 : i32
      %mul3A_12 = arith.muli %scan3A_9, %mul3A_11 : i32
      %add3A_13 = arith.addi %mul3A_2, %mul3A_12 : i32
      %mul3A_14 = arith.constant 512 : i32
      %mul3A_15 = arith.muli %add3A_13, %mul3A_14 : i32
      "tpu.region"() ({
        %run_scoped3A = tpu.sem_alloc : memref<!tpu.dma_semaphore, #tpu.memory_space<semaphore_mem>>
        %dma_start3A = tpu.memref_slice %arg2[%mul3A_15] : memref<51200000xf32, #tpu.memory_space<hbm>> -> memref<64000xf32, #tpu.memory_space<hbm>>
        %dma_start3A_26 = tpu.memref_slice %arg2[%mul3A_15] : memref<51200000xf32, #tpu.memory_space<hbm>> -> memref<64000xf32, #tpu.memory_space<hbm>>
        tpu.enqueue_dma source(%dma_start3A_26 : memref<64000xf32, #tpu.memory_space<hbm>>) target(%arg8 : memref<64000xf32, #tpu.memory_space<vmem>>) target_semaphore(%run_scoped3A : memref<!tpu.dma_semaphore, #tpu.memory_space<semaphore_mem>>)
        %dma_wait3A = tpu.memref_slice %arg2[%mul3A_15] : memref<51200000xf32, #tpu.memory_space<hbm>> -> memref<64000xf32, #tpu.memory_space<hbm>>
        %dma_wait3A_27 = tpu.memref_slice %arg2[%mul3A_15] : memref<51200000xf32, #tpu.memory_space<hbm>> -> memref<64000xf32, #tpu.memory_space<hbm>>
        tpu.wait_dma2 semaphore(%run_scoped3A : memref<!tpu.dma_semaphore, #tpu.memory_space<semaphore_mem>>) src(%dma_wait3A_27 : memref<64000xf32, #tpu.memory_space<hbm>>) dst(%arg8 : memref<64000xf32, #tpu.memory_space<vmem>>)
        tpu.yield
      }) : () -> ()
      %scan3A_16 = arith.constant 0 : i32
      %scan3A_17 = arith.constant 0 : i32
      %scan3A_18 = arith.constant 125 : i32
      %scan3A_19 = arith.addi %scan3A_17, %scan3A_18 : i32
      %scan3A_20 = arith.constant 1 : i32
      %scan3A_21 = scf.for %scan3A_26 = %scan3A_17 to %scan3A_19 step %scan3A_20 iter_args(%scan3A_27 = %scan3A_16) -> (i32)  : i32 {
        %mul3A_28 = arith.constant 512 : i32
        %mul3A_29 = arith.muli %scan3A_26, %mul3A_28 : i32
        %add3A_30 = arith.constant 0 : i32
        %add3A_31 = arith.addi %mul3A_29, %add3A_30 : i32
        %get3A = arith.index_cast %add3A_31 : i32 to index
        %get3A_32 = tpu.vector_load %arg8[%get3A] {strides = array<i32>} : memref<64000xf32, #tpu.memory_space<vmem>>, vector<16xf32>,
        %get3A_33 = vector.shape_cast %get3A_32 : vector<16xf32> to vector<16xf32>
        %add3A_34 = arith.constant 16 : i32
        %add3A_35 = arith.addi %mul3A_29, %add3A_34 : i32
        %get3A_36 = arith.index_cast %add3A_35 : i32 to index
        %get3A_37 = tpu.vector_load %arg8[%get3A_36] {strides = array<i32>} : memref<64000xf32, #tpu.memory_space<vmem>>, vector<16xf32>,
        %get3A_38 = vector.shape_cast %get3A_37 : vector<16xf32> to vector<16xf32>
        %add3A_39 = arith.constant 32 : i32
        %add3A_40 = arith.addi %mul3A_29, %add3A_39 : i32
        %get3A_41 = arith.index_cast %add3A_40 : i32 to index
        %get3A_42 = tpu.vector_load %arg8[%get3A_41] {strides = array<i32>} : memref<64000xf32, #tpu.memory_space<vmem>>, vector<16xf32>,
        %get3A_43 = vector.shape_cast %get3A_42 : vector<16xf32> to vector<16xf32>
        %add3A_44 = arith.constant 48 : i32
        %add3A_45 = arith.addi %mul3A_29, %add3A_44 : i32
        %get3A_46 = arith.index_cast %add3A_45 : i32 to index
        %get3A_47 = tpu.vector_load %arg8[%get3A_46] {strides = array<i32>} : memref<64000xf32, #tpu.memory_space<vmem>>, vector<16xf32>,
        %get3A_48 = vector.shape_cast %get3A_47 : vector<16xf32> to vector<16xf32>
        %add3A_49 = arith.constant 64 : i32
        %add3A_50 = arith.addi %mul3A_29, %add3A_49 : i32
        %get3A_51 = arith.index_cast %add3A_50 : i32 to index
        %get3A_52 = tpu.vector_load %arg8[%get3A_51] {strides = array<i32>} : memref<64000xf32, #tpu.memory_space<vmem>>, vector<16xf32>,
        %get3A_53 = vector.shape_cast %get3A_52 : vector<16xf32> to vector<16xf32>
        %add3A_54 = arith.constant 80 : i32
        %add3A_55 = arith.addi %mul3A_29, %add3A_54 : i32
        %get3A_56 = arith.index_cast %add3A_55 : i32 to index
        %get3A_57 = tpu.vector_load %arg8[%get3A_56] {strides = array<i32>} : memref<64000xf32, #tpu.memory_space<vmem>>, vector<16xf32>,
        %get3A_58 = vector.shape_cast %get3A_57 : vector<16xf32> to vector<16xf32>
        %add3A_59 = arith.constant 96 : i32
        %add3A_60 = arith.addi %mul3A_29, %add3A_59 : i32
        %get3A_61 = arith.index_cast %add3A_60 : i32 to index
        %get3A_62 = tpu.vector_load %arg8[%get3A_61] {strides = array<i32>} : memref<64000xf32, #tpu.memory_space<vmem>>, vector<16xf32>,
        %get3A_63 = vector.shape_cast %get3A_62 : vector<16xf32> to vector<16xf32>
        %add3A_64 = arith.constant 112 : i32
        %add3A_65 = arith.addi %mul3A_29, %add3A_64 : i32
        %get3A_66 = arith.index_cast %add3A_65 : i32 to index
        %get3A_67 = tpu.vector_load %arg8[%get3A_66] {strides = array<i32>} : memref<64000xf32, #tpu.memory_space<vmem>>, vector<16xf32>,
        %get3A_68 = vector.shape_cast %get3A_67 : vector<16xf32> to vector<16xf32>
        %add3A_69 = arith.constant 128 : i32
        %add3A_70 = arith.addi %mul3A_29, %add3A_69 : i32
        %get3A_71 = arith.index_cast %add3A_70 : i32 to index
        %get3A_72 = tpu.vector_load %arg8[%get3A_71] {strides = array<i32>} : memref<64000xf32, #tpu.memory_space<vmem>>, vector<16xf32>,
        %get3A_73 = vector.shape_cast %get3A_72 : vector<16xf32> to vector<16xf32>
        %add3A_74 = arith.constant 144 : i32
        %add3A_75 = arith.addi %mul3A_29, %add3A_74 : i32
        %get3A_76 = arith.index_cast %add3A_75 : i32 to index
        %get3A_77 = tpu.vector_load %arg8[%get3A_76] {strides = array<i32>} : memref<64000xf32, #tpu.memory_space<vmem>>, vector<16xf32>,
        %get3A_78 = vector.shape_cast %get3A_77 : vector<16xf32> to vector<16xf32>
        %add3A_79 = arith.constant 160 : i32
        %add3A_80 = arith.addi %mul3A_29, %add3A_79 : i32
        %get3A_81 = arith.index_cast %add3A_80 : i32 to index
        %get3A_82 = tpu.vector_load %arg8[%get3A_81] {strides = array<i32>} : memref<64000xf32, #tpu.memory_space<vmem>>, vector<16xf32>,
        %get3A_83 = vector.shape_cast %get3A_82 : vector<16xf32> to vector<16xf32>
        %add3A_84 = arith.constant 176 : i32
        %add3A_85 = arith.addi %mul3A_29, %add3A_84 : i32
        %get3A_86 = arith.index_cast %add3A_85 : i32 to index
        %get3A_87 = tpu.vector_load %arg8[%get3A_86] {strides = array<i32>} : memref<64000xf32, #tpu.memory_space<vmem>>, vector<16xf32>,
        %get3A_88 = vector.shape_cast %get3A_87 : vector<16xf32> to vector<16xf32>
        %add3A_89 = arith.constant 192 : i32
        %add3A_90 = arith.addi %mul3A_29, %add3A_89 : i32
        %get3A_91 = arith.index_cast %add3A_90 : i32 to index
        %get3A_92 = tpu.vector_load %arg8[%get3A_91] {strides = array<i32>} : memref<64000xf32, #tpu.memory_space<vmem>>, vector<16xf32>,
        %get3A_93 = vector.shape_cast %get3A_92 : vector<16xf32> to vector<16xf32>
        %add3A_94 = arith.constant 208 : i32
        %add3A_95 = arith.addi %mul3A_29, %add3A_94 : i32
        %get3A_96 = arith.index_cast %add3A_95 : i32 to index
        %get3A_97 = tpu.vector_load %arg8[%get3A_96] {strides = array<i32>} : memref<64000xf32, #tpu.memory_space<vmem>>, vector<16xf32>,
        %get3A_98 = vector.shape_cast %get3A_97 : vector<16xf32> to vector<16xf32>
        %add3A_99 = arith.constant 224 : i32
        %add3A_100 = arith.addi %mul3A_29, %add3A_99 : i32
        %get3A_101 = arith.index_cast %add3A_100 : i32 to index
        %get3A_102 = tpu.vector_load %arg8[%get3A_101] {strides = array<i32>} : memref<64000xf32, #tpu.memory_space<vmem>>, vector<16xf32>,
        %get3A_103 = vector.shape_cast %get3A_102 : vector<16xf32> to vector<16xf32>
        %add3A_104 = arith.constant 240 : i32
        %add3A_105 = arith.addi %mul3A_29, %add3A_104 : i32
        %get3A_106 = arith.index_cast %add3A_105 : i32 to index
        %get3A_107 = tpu.vector_load %arg8[%get3A_106] {strides = array<i32>} : memref<64000xf32, #tpu.memory_space<vmem>>, vector<16xf32>,
        %get3A_108 = vector.shape_cast %get3A_107 : vector<16xf32> to vector<16xf32>
        %add3A_109 = arith.constant 256 : i32
        %add3A_110 = arith.addi %mul3A_29, %add3A_109 : i32
        %get3A_111 = arith.index_cast %add3A_110 : i32 to index
        %get3A_112 = tpu.vector_load %arg8[%get3A_111] {strides = array<i32>} : memref<64000xf32, #tpu.memory_space<vmem>>, vector<16xf32>,
        %get3A_113 = vector.shape_cast %get3A_112 : vector<16xf32> to vector<16xf32>
        %add3A_114 = arith.constant 272 : i32
        %add3A_115 = arith.addi %mul3A_29, %add3A_114 : i32
        %get3A_116 = arith.index_cast %add3A_115 : i32 to index
        %get3A_117 = tpu.vector_load %arg8[%get3A_116] {strides = array<i32>} : memref<64000xf32, #tpu.memory_space<vmem>>, vector<16xf32>,
        %get3A_118 = vector.shape_cast %get3A_117 : vector<16xf32> to vector<16xf32>
        %add3A_119 = arith.constant 288 : i32
        %add3A_120 = arith.addi %mul3A_29, %add3A_119 : i32
        %get3A_121 = arith.index_cast %add3A_120 : i32 to index
        %get3A_122 = tpu.vector_load %arg8[%get3A_121] {strides = array<i32>} : memref<64000xf32, #tpu.memory_space<vmem>>, vector<16xf32>,
        %get3A_123 = vector.shape_cast %get3A_122 : vector<16xf32> to vector<16xf32>
        %add3A_124 = arith.constant 304 : i32
        %add3A_125 = arith.addi %mul3A_29, %add3A_124 : i32
        %get3A_126 = arith.index_cast %add3A_125 : i32 to index
        %get3A_127 = tpu.vector_load %arg8[%get3A_126] {strides = array<i32>} : memref<64000xf32, #tpu.memory_space<vmem>>, vector<16xf32>,
        %get3A_128 = vector.shape_cast %get3A_127 : vector<16xf32> to vector<16xf32>
        %add3A_129 = arith.constant 320 : i32
        %add3A_130 = arith.addi %mul3A_29, %add3A_129 : i32
        %get3A_131 = arith.index_cast %add3A_130 : i32 to index
        %get3A_132 = tpu.vector_load %arg8[%get3A_131] {strides = array<i32>} : memref<64000xf32, #tpu.memory_space<vmem>>, vector<16xf32>,
        %get3A_133 = vector.shape_cast %get3A_132 : vector<16xf32> to vector<16xf32>
        %add3A_134 = arith.constant 336 : i32
        %add3A_135 = arith.addi %mul3A_29, %add3A_134 : i32
        %get3A_136 = arith.index_cast %add3A_135 : i32 to index
        %get3A_137 = tpu.vector_load %arg8[%get3A_136] {strides = array<i32>} : memref<64000xf32, #tpu.memory_space<vmem>>, vector<16xf32>,
        %get3A_138 = vector.shape_cast %get3A_137 : vector<16xf32> to vector<16xf32>
        %add3A_139 = arith.constant 352 : i32
        %add3A_140 = arith.addi %mul3A_29, %add3A_139 : i32
        %get3A_141 = arith.index_cast %add3A_140 : i32 to index
        %get3A_142 = tpu.vector_load %arg8[%get3A_141] {strides = array<i32>} : memref<64000xf32, #tpu.memory_space<vmem>>, vector<16xf32>,
        %get3A_143 = vector.shape_cast %get3A_142 : vector<16xf32> to vector<16xf32>
        %add3A_144 = arith.constant 368 : i32
        %add3A_145 = arith.addi %mul3A_29, %add3A_144 : i32
        %get3A_146 = arith.index_cast %add3A_145 : i32 to index
        %get3A_147 = tpu.vector_load %arg8[%get3A_146] {strides = array<i32>} : memref<64000xf32, #tpu.memory_space<vmem>>, vector<16xf32>,
        %get3A_148 = vector.shape_cast %get3A_147 : vector<16xf32> to vector<16xf32>
        %add3A_149 = arith.constant 384 : i32
        %add3A_150 = arith.addi %mul3A_29, %add3A_149 : i32
        %get3A_151 = arith.index_cast %add3A_150 : i32 to index
        %get3A_152 = tpu.vector_load %arg8[%get3A_151] {strides = array<i32>} : memref<64000xf32, #tpu.memory_space<vmem>>, vector<16xf32>,
        %get3A_153 = vector.shape_cast %get3A_152 : vector<16xf32> to vector<16xf32>
        %add3A_154 = arith.constant 400 : i32
        %add3A_155 = arith.addi %mul3A_29, %add3A_154 : i32
        %get3A_156 = arith.index_cast %add3A_155 : i32 to index
        %get3A_157 = tpu.vector_load %arg8[%get3A_156] {strides = array<i32>} : memref<64000xf32, #tpu.memory_space<vmem>>, vector<16xf32>,
        %get3A_158 = vector.shape_cast %get3A_157 : vector<16xf32> to vector<16xf32>
        %add3A_159 = arith.constant 416 : i32
        %add3A_160 = arith.addi %mul3A_29, %add3A_159 : i32
        %get3A_161 = arith.index_cast %add3A_160 : i32 to index
        %get3A_162 = tpu.vector_load %arg8[%get3A_161] {strides = array<i32>} : memref<64000xf32, #tpu.memory_space<vmem>>, vector<16xf32>,
        %get3A_163 = vector.shape_cast %get3A_162 : vector<16xf32> to vector<16xf32>
        %add3A_164 = arith.constant 432 : i32
        %add3A_165 = arith.addi %mul3A_29, %add3A_164 : i32
        %get3A_166 = arith.index_cast %add3A_165 : i32 to index
        %get3A_167 = tpu.vector_load %arg8[%get3A_166] {strides = array<i32>} : memref<64000xf32, #tpu.memory_space<vmem>>, vector<16xf32>,
        %get3A_168 = vector.shape_cast %get3A_167 : vector<16xf32> to vector<16xf32>
        %add3A_169 = arith.constant 448 : i32
        %add3A_170 = arith.addi %mul3A_29, %add3A_169 : i32
        %get3A_171 = arith.index_cast %add3A_170 : i32 to index
        %get3A_172 = tpu.vector_load %arg8[%get3A_171] {strides = array<i32>} : memref<64000xf32, #tpu.memory_space<vmem>>, vector<16xf32>,
        %get3A_173 = vector.shape_cast %get3A_172 : vector<16xf32> to vector<16xf32>
        %add3A_174 = arith.constant 464 : i32
        %add3A_175 = arith.addi %mul3A_29, %add3A_174 : i32
        %get3A_176 = arith.index_cast %add3A_175 : i32 to index
        %get3A_177 = tpu.vector_load %arg8[%get3A_176] {strides = array<i32>} : memref<64000xf32, #tpu.memory_space<vmem>>, vector<16xf32>,
        %get3A_178 = vector.shape_cast %get3A_177 : vector<16xf32> to vector<16xf32>
        %add3A_179 = arith.constant 480 : i32
        %add3A_180 = arith.addi %mul3A_29, %add3A_179 : i32
        %get3A_181 = arith.index_cast %add3A_180 : i32 to index
        %get3A_182 = tpu.vector_load %arg8[%get3A_181] {strides = array<i32>} : memref<64000xf32, #tpu.memory_space<vmem>>, vector<16xf32>,
        %get3A_183 = vector.shape_cast %get3A_182 : vector<16xf32> to vector<16xf32>
        %add3A_184 = arith.constant 496 : i32
        %add3A_185 = arith.addi %mul3A_29, %add3A_184 : i32
        %get3A_186 = arith.index_cast %add3A_185 : i32 to index
        %get3A_187 = tpu.vector_load %arg8[%get3A_186] {strides = array<i32>} : memref<64000xf32, #tpu.memory_space<vmem>>, vector<16xf32>,
        %get3A_188 = vector.shape_cast %get3A_187 : vector<16xf32> to vector<16xf32>
        %broadcast_in_dim3A = arith.constant 0.000000e+00 : f32
        %broadcast_in_dim3A_189 = vector.broadcast %broadcast_in_dim3A : f32 to vector<16xf32>
        %add3A_190 = arith.addf %broadcast_in_dim3A_189, %get3A_33 : vector<16xf32>
        %mul3A_191 = arith.mulf %get3A_33, %get3A_33 : vector<16xf32>
        %add3A_192 = arith.addf %broadcast_in_dim3A_189, %mul3A_191 : vector<16xf32>
        %add3A_193 = arith.addf %add3A_190, %get3A_38 : vector<16xf32>
        %mul3A_194 = arith.mulf %get3A_38, %get3A_38 : vector<16xf32>
        %add3A_195 = arith.addf %add3A_192, %mul3A_194 : vector<16xf32>
        %add3A_196 = arith.addf %add3A_193, %get3A_43 : vector<16xf32>
        %mul3A_197 = arith.mulf %get3A_43, %get3A_43 : vector<16xf32>
        %add3A_198 = arith.addf %add3A_195, %mul3A_197 : vector<16xf32>
        %add3A_199 = arith.addf %add3A_196, %get3A_48 : vector<16xf32>
        %mul3A_200 = arith.mulf %get3A_48, %get3A_48 : vector<16xf32>
        %add3A_201 = arith.addf %add3A_198, %mul3A_200 : vector<16xf32>
        %add3A_202 = arith.addf %add3A_199, %get3A_53 : vector<16xf32>
        %mul3A_203 = arith.mulf %get3A_53, %get3A_53 : vector<16xf32>
        %add3A_204 = arith.addf %add3A_201, %mul3A_203 : vector<16xf32>
        %add3A_205 = arith.addf %add3A_202, %get3A_58 : vector<16xf32>
        %mul3A_206 = arith.mulf %get3A_58, %get3A_58 : vector<16xf32>
        %add3A_207 = arith.addf %add3A_204, %mul3A_206 : vector<16xf32>
        %add3A_208 = arith.addf %add3A_205, %get3A_63 : vector<16xf32>
        %mul3A_209 = arith.mulf %get3A_63, %get3A_63 : vector<16xf32>
        %add3A_210 = arith.addf %add3A_207, %mul3A_209 : vector<16xf32>
        %add3A_211 = arith.addf %add3A_208, %get3A_68 : vector<16xf32>
        %mul3A_212 = arith.mulf %get3A_68, %get3A_68 : vector<16xf32>
        %add3A_213 = arith.addf %add3A_210, %mul3A_212 : vector<16xf32>
        %add3A_214 = arith.addf %add3A_211, %get3A_73 : vector<16xf32>
        %mul3A_215 = arith.mulf %get3A_73, %get3A_73 : vector<16xf32>
        %add3A_216 = arith.addf %add3A_213, %mul3A_215 : vector<16xf32>
        %add3A_217 = arith.addf %add3A_214, %get3A_78 : vector<16xf32>
        %mul3A_218 = arith.mulf %get3A_78, %get3A_78 : vector<16xf32>
        %add3A_219 = arith.addf %add3A_216, %mul3A_218 : vector<16xf32>
        %add3A_220 = arith.addf %add3A_217, %get3A_83 : vector<16xf32>
        %mul3A_221 = arith.mulf %get3A_83, %get3A_83 : vector<16xf32>
        %add3A_222 = arith.addf %add3A_219, %mul3A_221 : vector<16xf32>
        %add3A_223 = arith.addf %add3A_220, %get3A_88 : vector<16xf32>
        %mul3A_224 = arith.mulf %get3A_88, %get3A_88 : vector<16xf32>
        %add3A_225 = arith.addf %add3A_222, %mul3A_224 : vector<16xf32>
        %add3A_226 = arith.addf %add3A_223, %get3A_93 : vector<16xf32>
        %mul3A_227 = arith.mulf %get3A_93, %get3A_93 : vector<16xf32>
        %add3A_228 = arith.addf %add3A_225, %mul3A_227 : vector<16xf32>
        %add3A_229 = arith.addf %add3A_226, %get3A_98 : vector<16xf32>
        %mul3A_230 = arith.mulf %get3A_98, %get3A_98 : vector<16xf32>
        %add3A_231 = arith.addf %add3A_228, %mul3A_230 : vector<16xf32>
        %add3A_232 = arith.addf %add3A_229, %get3A_103 : vector<16xf32>
        %mul3A_233 = arith.mulf %get3A_103, %get3A_103 : vector<16xf32>
        %add3A_234 = arith.addf %add3A_231, %mul3A_233 : vector<16xf32>
        %add3A_235 = arith.addf %add3A_232, %get3A_108 : vector<16xf32>
        %mul3A_236 = arith.mulf %get3A_108, %get3A_108 : vector<16xf32>
        %add3A_237 = arith.addf %add3A_234, %mul3A_236 : vector<16xf32>
        %add3A_238 = arith.addf %add3A_235, %get3A_113 : vector<16xf32>
        %mul3A_239 = arith.mulf %get3A_113, %get3A_113 : vector<16xf32>
        %add3A_240 = arith.addf %add3A_237, %mul3A_239 : vector<16xf32>
        %add3A_241 = arith.addf %add3A_238, %get3A_118 : vector<16xf32>
        %mul3A_242 = arith.mulf %get3A_118, %get3A_118 : vector<16xf32>
        %add3A_243 = arith.addf %add3A_240, %mul3A_242 : vector<16xf32>
        %add3A_244 = arith.addf %add3A_241, %get3A_123 : vector<16xf32>
        %mul3A_245 = arith.mulf %get3A_123, %get3A_123 : vector<16xf32>
        %add3A_246 = arith.addf %add3A_243, %mul3A_245 : vector<16xf32>
        %add3A_247 = arith.addf %add3A_244, %get3A_128 : vector<16xf32>
        %mul3A_248 = arith.mulf %get3A_128, %get3A_128 : vector<16xf32>
        %add3A_249 = arith.addf %add3A_246, %mul3A_248 : vector<16xf32>
        %add3A_250 = arith.addf %add3A_247, %get3A_133 : vector<16xf32>
        %mul3A_251 = arith.mulf %get3A_133, %get3A_133 : vector<16xf32>
        %add3A_252 = arith.addf %add3A_249, %mul3A_251 : vector<16xf32>
        %add3A_253 = arith.addf %add3A_250, %get3A_138 : vector<16xf32>
        %mul3A_254 = arith.mulf %get3A_138, %get3A_138 : vector<16xf32>
        %add3A_255 = arith.addf %add3A_252, %mul3A_254 : vector<16xf32>
        %add3A_256 = arith.addf %add3A_253, %get3A_143 : vector<16xf32>
        %mul3A_257 = arith.mulf %get3A_143, %get3A_143 : vector<16xf32>
        %add3A_258 = arith.addf %add3A_255, %mul3A_257 : vector<16xf32>
        %add3A_259 = arith.addf %add3A_256, %get3A_148 : vector<16xf32>
        %mul3A_260 = arith.mulf %get3A_148, %get3A_148 : vector<16xf32>
        %add3A_261 = arith.addf %add3A_258, %mul3A_260 : vector<16xf32>
        %add3A_262 = arith.addf %add3A_259, %get3A_153 : vector<16xf32>
        %mul3A_263 = arith.mulf %get3A_153, %get3A_153 : vector<16xf32>
        %add3A_264 = arith.addf %add3A_261, %mul3A_263 : vector<16xf32>
        %add3A_265 = arith.addf %add3A_262, %get3A_158 : vector<16xf32>
        %mul3A_266 = arith.mulf %get3A_158, %get3A_158 : vector<16xf32>
        %add3A_267 = arith.addf %add3A_264, %mul3A_266 : vector<16xf32>
        %add3A_268 = arith.addf %add3A_265, %get3A_163 : vector<16xf32>
        %mul3A_269 = arith.mulf %get3A_163, %get3A_163 : vector<16xf32>
        %add3A_270 = arith.addf %add3A_267, %mul3A_269 : vector<16xf32>
        %add3A_271 = arith.addf %add3A_268, %get3A_168 : vector<16xf32>
        %mul3A_272 = arith.mulf %get3A_168, %get3A_168 : vector<16xf32>
        %add3A_273 = arith.addf %add3A_270, %mul3A_272 : vector<16xf32>
        %add3A_274 = arith.addf %add3A_271, %get3A_173 : vector<16xf32>
        %mul3A_275 = arith.mulf %get3A_173, %get3A_173 : vector<16xf32>
        %add3A_276 = arith.addf %add3A_273, %mul3A_275 : vector<16xf32>
        %add3A_277 = arith.addf %add3A_274, %get3A_178 : vector<16xf32>
        %mul3A_278 = arith.mulf %get3A_178, %get3A_178 : vector<16xf32>
        %add3A_279 = arith.addf %add3A_276, %mul3A_278 : vector<16xf32>
        %add3A_280 = arith.addf %add3A_277, %get3A_183 : vector<16xf32>
        %mul3A_281 = arith.mulf %get3A_183, %get3A_183 : vector<16xf32>
        %add3A_282 = arith.addf %add3A_279, %mul3A_281 : vector<16xf32>
        %add3A_283 = arith.addf %add3A_280, %get3A_188 : vector<16xf32>
        %mul3A_284 = arith.mulf %get3A_188, %get3A_188 : vector<16xf32>
        %add3A_285 = arith.addf %add3A_282, %mul3A_284 : vector<16xf32>
        %iota3A = tpu.iota {dimensions = array<i32: 0>} : vector<16xi32>
        %xor3A = arith.constant 8 : i32
        %xor3A_286 = vector.broadcast %xor3A : i32 to vector<16xi32>
        %xor3A_287 = arith.xori %iota3A, %xor3A_286 : vector<16xi32>
        %broadcast_in_dim3A_288 = vector.shape_cast %xor3A_287 : vector<16xi32> to vector<16x1xi32>
        %gather3A = vector.shape_cast %broadcast_in_dim3A_288 : vector<16x1xi32> to vector<16xi32>
        %gather3A_289 = tpu.dynamic_gather %add3A_283[%gather3A] in [0] : vector<16xf32>, vector<16xi32> -> vector<16xf32>
        %add3A_290 = arith.addf %add3A_283, %gather3A_289 : vector<16xf32>
        %xor3A_291 = arith.constant 4 : i32
        %xor3A_292 = vector.broadcast %xor3A_291 : i32 to vector<16xi32>
        %xor3A_293 = arith.xori %iota3A, %xor3A_292 : vector<16xi32>
        %broadcast_in_dim3A_294 = vector.shape_cast %xor3A_293 : vector<16xi32> to vector<16x1xi32>
        %gather3A_295 = vector.shape_cast %broadcast_in_dim3A_294 : vector<16x1xi32> to vector<16xi32>
        %gather3A_296 = tpu.dynamic_gather %add3A_290[%gather3A_295] in [0] : vector<16xf32>, vector<16xi32> -> vector<16xf32>
        %add3A_297 = arith.addf %add3A_290, %gather3A_296 : vector<16xf32>
        %xor3A_298 = arith.constant 2 : i32
        %xor3A_299 = vector.broadcast %xor3A_298 : i32 to vector<16xi32>
        %xor3A_300 = arith.xori %iota3A, %xor3A_299 : vector<16xi32>
        %broadcast_in_dim3A_301 = vector.shape_cast %xor3A_300 : vector<16xi32> to vector<16x1xi32>
        %gather3A_302 = vector.shape_cast %broadcast_in_dim3A_301 : vector<16x1xi32> to vector<16xi32>
        %gather3A_303 = tpu.dynamic_gather %add3A_297[%gather3A_302] in [0] : vector<16xf32>, vector<16xi32> -> vector<16xf32>
        %add3A_304 = arith.addf %add3A_297, %gather3A_303 : vector<16xf32>
        %xor3A_305 = arith.constant 1 : i32
        %xor3A_306 = vector.broadcast %xor3A_305 : i32 to vector<16xi32>
        %xor3A_307 = arith.xori %iota3A, %xor3A_306 : vector<16xi32>
        %broadcast_in_dim3A_308 = vector.shape_cast %xor3A_307 : vector<16xi32> to vector<16x1xi32>
        %gather3A_309 = vector.shape_cast %broadcast_in_dim3A_308 : vector<16x1xi32> to vector<16xi32>
        %gather3A_310 = tpu.dynamic_gather %add3A_304[%gather3A_309] in [0] : vector<16xf32>, vector<16xi32> -> vector<16xf32>
        %add3A_311 = arith.addf %add3A_304, %gather3A_310 : vector<16xf32>
        %iota3A_312 = tpu.iota {dimensions = array<i32: 0>} : vector<16xi32>
        %xor3A_313 = arith.constant 8 : i32
        %xor3A_314 = vector.broadcast %xor3A_313 : i32 to vector<16xi32>
        %xor3A_315 = arith.xori %iota3A_312, %xor3A_314 : vector<16xi32>
        %broadcast_in_dim3A_316 = vector.shape_cast %xor3A_315 : vector<16xi32> to vector<16x1xi32>
        %gather3A_317 = vector.shape_cast %broadcast_in_dim3A_316 : vector<16x1xi32> to vector<16xi32>
        %gather3A_318 = tpu.dynamic_gather %add3A_285[%gather3A_317] in [0] : vector<16xf32>, vector<16xi32> -> vector<16xf32>
        %add3A_319 = arith.addf %add3A_285, %gather3A_318 : vector<16xf32>
        %xor3A_320 = arith.constant 4 : i32
        %xor3A_321 = vector.broadcast %xor3A_320 : i32 to vector<16xi32>
        %xor3A_322 = arith.xori %iota3A_312, %xor3A_321 : vector<16xi32>
        %broadcast_in_dim3A_323 = vector.shape_cast %xor3A_322 : vector<16xi32> to vector<16x1xi32>
        %gather3A_324 = vector.shape_cast %broadcast_in_dim3A_323 : vector<16x1xi32> to vector<16xi32>
        %gather3A_325 = tpu.dynamic_gather %add3A_319[%gather3A_324] in [0] : vector<16xf32>, vector<16xi32> -> vector<16xf32>
        %add3A_326 = arith.addf %add3A_319, %gather3A_325 : vector<16xf32>
        %xor3A_327 = arith.constant 2 : i32
        %xor3A_328 = vector.broadcast %xor3A_327 : i32 to vector<16xi32>
        %xor3A_329 = arith.xori %iota3A_312, %xor3A_328 : vector<16xi32>
        %broadcast_in_dim3A_330 = vector.shape_cast %xor3A_329 : vector<16xi32> to vector<16x1xi32>
        %gather3A_331 = vector.shape_cast %broadcast_in_dim3A_330 : vector<16x1xi32> to vector<16xi32>
        %gather3A_332 = tpu.dynamic_gather %add3A_326[%gather3A_331] in [0] : vector<16xf32>, vector<16xi32> -> vector<16xf32>
        %add3A_333 = arith.addf %add3A_326, %gather3A_332 : vector<16xf32>
        %xor3A_334 = arith.constant 1 : i32
        %xor3A_335 = vector.broadcast %xor3A_334 : i32 to vector<16xi32>
        %xor3A_336 = arith.xori %iota3A_312, %xor3A_335 : vector<16xi32>
        %broadcast_in_dim3A_337 = vector.shape_cast %xor3A_336 : vector<16xi32> to vector<16x1xi32>
        %gather3A_338 = vector.shape_cast %broadcast_in_dim3A_337 : vector<16x1xi32> to vector<16xi32>
        %gather3A_339 = tpu.dynamic_gather %add3A_333[%gather3A_338] in [0] : vector<16xf32>, vector<16xi32> -> vector<16xf32>
        %add3A_340 = arith.addf %add3A_333, %gather3A_339 : vector<16xf32>
        %mul3A_341 = arith.constant 0.001953125 : f32
        %mul3A_342 = vector.broadcast %mul3A_341 : f32 to vector<16xf32>
        %mul3A_343 = arith.mulf %add3A_311, %mul3A_342 : vector<16xf32>
        %mul3A_344 = arith.constant 0.001953125 : f32
        %mul3A_345 = vector.broadcast %mul3A_344 : f32 to vector<16xf32>
        %mul3A_346 = arith.mulf %add3A_340, %mul3A_345 : vector<16xf32>
        %mul3A_347 = arith.mulf %mul3A_343, %mul3A_343 : vector<16xf32>
        %sub3A = arith.subf %mul3A_346, %mul3A_347 : vector<16xf32>
        %add3A_348 = arith.constant 9.99999974E-6 : f32
        %add3A_349 = vector.broadcast %add3A_348 : f32 to vector<16xf32>
        %add3A_350 = arith.addf %sub3A, %add3A_349 : vector<16xf32>
        %bitcast_convert_type3A = tpu.bitcast %add3A_350 : vector<16xf32> -> vector<16xi32>
        %shift_right_logical3A = arith.constant 1 : i32
        %shift_right_logical3A_351 = vector.broadcast %shift_right_logical3A : i32 to vector<16xi32>
        %shift_right_logical3A_352 = arith.shrui %bitcast_convert_type3A, %shift_right_logical3A_351 : vector<16xi32>
        %sub3A_353 = arith.constant 1597463007 : i32
        %sub3A_354 = vector.broadcast %sub3A_353 : i32 to vector<16xi32>
        %sub3A_355 = arith.subi %sub3A_354, %shift_right_logical3A_352 : vector<16xi32>
        %bitcast_convert_type3A_356 = tpu.bitcast %sub3A_355 : vector<16xi32> -> vector<16xf32>
        %mul3A_357 = arith.constant 5.000000e-01 : f32
        %mul3A_358 = vector.broadcast %mul3A_357 : f32 to vector<16xf32>
        %mul3A_359 = arith.mulf %mul3A_358, %add3A_350 : vector<16xf32>
        %mul3A_360 = arith.mulf %mul3A_359, %bitcast_convert_type3A_356 : vector<16xf32>
        %mul3A_361 = arith.mulf %mul3A_360, %bitcast_convert_type3A_356 : vector<16xf32>
        %sub3A_362 = arith.constant 1.500000e+00 : f32
        %sub3A_363 = vector.broadcast %sub3A_362 : f32 to vector<16xf32>
        %sub3A_364 = arith.subf %sub3A_363, %mul3A_361 : vector<16xf32>
        %mul3A_365 = arith.mulf %bitcast_convert_type3A_356, %sub3A_364 : vector<16xf32>
        %mul3A_366 = arith.mulf %mul3A_359, %mul3A_365 : vector<16xf32>
        %mul3A_367 = arith.mulf %mul3A_366, %mul3A_365 : vector<16xf32>
        %sub3A_368 = arith.constant 1.500000e+00 : f32
        %sub3A_369 = vector.broadcast %sub3A_368 : f32 to vector<16xf32>
        %sub3A_370 = arith.subf %sub3A_369, %mul3A_367 : vector<16xf32>
        %mul3A_371 = arith.mulf %mul3A_365, %sub3A_370 : vector<16xf32>
        %mul3A_372 = arith.mulf %mul3A_359, %mul3A_371 : vector<16xf32>
        %mul3A_373 = arith.mulf %mul3A_372, %mul3A_371 : vector<16xf32>
        %sub3A_374 = arith.constant 1.500000e+00 : f32
        %sub3A_375 = vector.broadcast %sub3A_374 : f32 to vector<16xf32>
        %sub3A_376 = arith.subf %sub3A_375, %mul3A_373 : vector<16xf32>
        %mul3A_377 = arith.mulf %mul3A_371, %sub3A_376 : vector<16xf32>
        %mul3A_378 = arith.mulf %mul3A_343, %mul3A_377 : vector<16xf32>
        %mul3A_379 = arith.mulf %get3A_33, %mul3A_377 : vector<16xf32>
        %sub3A_380 = arith.subf %mul3A_379, %mul3A_378 : vector<16xf32>
        %get3A_381 = arith.constant 0 : index
        %get3A_382 = tpu.vector_load %arg6[%get3A_381] {strides = array<i32>} : memref<512xf32, #tpu.memory_space<vmem>>, vector<16xf32>,
        %get3A_383 = vector.shape_cast %get3A_382 : vector<16xf32> to vector<16xf32>
        %mul3A_384 = arith.mulf %sub3A_380, %get3A_383 : vector<16xf32>
        %get3A_385 = arith.constant 0 : index
        %get3A_386 = tpu.vector_load %arg7[%get3A_385] {strides = array<i32>} : memref<512xf32, #tpu.memory_space<vmem>>, vector<16xf32>,
        %get3A_387 = vector.shape_cast %get3A_386 : vector<16xf32> to vector<16xf32>
        %add3A_388 = arith.addf %mul3A_384, %get3A_387 : vector<16xf32>
        %add3A_389 = arith.constant 0 : i32
        %add3A_390 = arith.addi %mul3A_29, %add3A_389 : i32
        %swap3A = arith.index_cast %add3A_390 : i32 to index
        %swap3A_391 = tpu.vector_load %arg8[%swap3A] {strides = array<i32>} : memref<64000xf32, #tpu.memory_space<vmem>>, vector<16xf32>,
        %swap3A_392 = vector.shape_cast %swap3A_391 : vector<16xf32> to vector<16xf32>
        %swap3A_393 = vector.shape_cast %add3A_388 : vector<16xf32> to vector<16xf32>
        tpu.vector_store %arg8[%swap3A], %swap3A_393 {strides = array<i32>} : memref<64000xf32, #tpu.memory_space<vmem>>, vector<16xf32>,
        %mul3A_394 = arith.mulf %get3A_38, %mul3A_377 : vector<16xf32>
        %sub3A_395 = arith.subf %mul3A_394, %mul3A_378 : vector<16xf32>
        %get3A_396 = arith.constant 16 : index
        %get3A_397 = tpu.vector_load %arg6[%get3A_396] {strides = array<i32>} : memref<512xf32, #tpu.memory_space<vmem>>, vector<16xf32>,
        %get3A_398 = vector.shape_cast %get3A_397 : vector<16xf32> to vector<16xf32>
        %mul3A_399 = arith.mulf %sub3A_395, %get3A_398 : vector<16xf32>
        %get3A_400 = arith.constant 16 : index
        %get3A_401 = tpu.vector_load %arg7[%get3A_400] {strides = array<i32>} : memref<512xf32, #tpu.memory_space<vmem>>, vector<16xf32>,
        %get3A_402 = vector.shape_cast %get3A_401 : vector<16xf32> to vector<16xf32>
        %add3A_403 = arith.addf %mul3A_399, %get3A_402 : vector<16xf32>
        %add3A_404 = arith.constant 16 : i32
        %add3A_405 = arith.addi %mul3A_29, %add3A_404 : i32
        %swap3A_406 = arith.index_cast %add3A_405 : i32 to index
        %swap3A_407 = tpu.vector_load %arg8[%swap3A_406] {strides = array<i32>} : memref<64000xf32, #tpu.memory_space<vmem>>, vector<16xf32>,
        %swap3A_408 = vector.shape_cast %swap3A_407 : vector<16xf32> to vector<16xf32>
        %swap3A_409 = vector.shape_cast %add3A_403 : vector<16xf32> to vector<16xf32>
        tpu.vector_store %arg8[%swap3A_406], %swap3A_409 {strides = array<i32>} : memref<64000xf32, #tpu.memory_space<vmem>>, vector<16xf32>,
        %mul3A_410 = arith.mulf %get3A_43, %mul3A_377 : vector<16xf32>
        %sub3A_411 = arith.subf %mul3A_410, %mul3A_378 : vector<16xf32>
        %get3A_412 = arith.constant 32 : index
        %get3A_413 = tpu.vector_load %arg6[%get3A_412] {strides = array<i32>} : memref<512xf32, #tpu.memory_space<vmem>>, vector<16xf32>,
        %get3A_414 = vector.shape_cast %get3A_413 : vector<16xf32> to vector<16xf32>
        %mul3A_415 = arith.mulf %sub3A_411, %get3A_414 : vector<16xf32>
        %get3A_416 = arith.constant 32 : index
        %get3A_417 = tpu.vector_load %arg7[%get3A_416] {strides = array<i32>} : memref<512xf32, #tpu.memory_space<vmem>>, vector<16xf32>,
        %get3A_418 = vector.shape_cast %get3A_417 : vector<16xf32> to vector<16xf32>
        %add3A_419 = arith.addf %mul3A_415, %get3A_418 : vector<16xf32>
        %add3A_420 = arith.constant 32 : i32
        %add3A_421 = arith.addi %mul3A_29, %add3A_420 : i32
        %swap3A_422 = arith.index_cast %add3A_421 : i32 to index
        %swap3A_423 = tpu.vector_load %arg8[%swap3A_422] {strides = array<i32>} : memref<64000xf32, #tpu.memory_space<vmem>>, vector<16xf32>,
        %swap3A_424 = vector.shape_cast %swap3A_423 : vector<16xf32> to vector<16xf32>
        %swap3A_425 = vector.shape_cast %add3A_419 : vector<16xf32> to vector<16xf32>
        tpu.vector_store %arg8[%swap3A_422], %swap3A_425 {strides = array<i32>} : memref<64000xf32, #tpu.memory_space<vmem>>, vector<16xf32>,
        %mul3A_426 = arith.mulf %get3A_48, %mul3A_377 : vector<16xf32>
        %sub3A_427 = arith.subf %mul3A_426, %mul3A_378 : vector<16xf32>
        %get3A_428 = arith.constant 48 : index
        %get3A_429 = tpu.vector_load %arg6[%get3A_428] {strides = array<i32>} : memref<512xf32, #tpu.memory_space<vmem>>, vector<16xf32>,
        %get3A_430 = vector.shape_cast %get3A_429 : vector<16xf32> to vector<16xf32>
        %mul3A_431 = arith.mulf %sub3A_427, %get3A_430 : vector<16xf32>
        %get3A_432 = arith.constant 48 : index
        %get3A_433 = tpu.vector_load %arg7[%get3A_432] {strides = array<i32>} : memref<512xf32, #tpu.memory_space<vmem>>, vector<16xf32>,
        %get3A_434 = vector.shape_cast %get3A_433 : vector<16xf32> to vector<16xf32>
        %add3A_435 = arith.addf %mul3A_431, %get3A_434 : vector<16xf32>
        %add3A_436 = arith.constant 48 : i32
        %add3A_437 = arith.addi %mul3A_29, %add3A_436 : i32
        %swap3A_438 = arith.index_cast %add3A_437 : i32 to index
        %swap3A_439 = tpu.vector_load %arg8[%swap3A_438] {strides = array<i32>} : memref<64000xf32, #tpu.memory_space<vmem>>, vector<16xf32>,
        %swap3A_440 = vector.shape_cast %swap3A_439 : vector<16xf32> to vector<16xf32>
        %swap3A_441 = vector.shape_cast %add3A_435 : vector<16xf32> to vector<16xf32>
        tpu.vector_store %arg8[%swap3A_438], %swap3A_441 {strides = array<i32>} : memref<64000xf32, #tpu.memory_space<vmem>>, vector<16xf32>,
        %mul3A_442 = arith.mulf %get3A_53, %mul3A_377 : vector<16xf32>
        %sub3A_443 = arith.subf %mul3A_442, %mul3A_378 : vector<16xf32>
        %get3A_444 = arith.constant 64 : index
        %get3A_445 = tpu.vector_load %arg6[%get3A_444] {strides = array<i32>} : memref<512xf32, #tpu.memory_space<vmem>>, vector<16xf32>,
        %get3A_446 = vector.shape_cast %get3A_445 : vector<16xf32> to vector<16xf32>
        %mul3A_447 = arith.mulf %sub3A_443, %get3A_446 : vector<16xf32>
        %get3A_448 = arith.constant 64 : index
        %get3A_449 = tpu.vector_load %arg7[%get3A_448] {strides = array<i32>} : memref<512xf32, #tpu.memory_space<vmem>>, vector<16xf32>,
        %get3A_450 = vector.shape_cast %get3A_449 : vector<16xf32> to vector<16xf32>
        %add3A_451 = arith.addf %mul3A_447, %get3A_450 : vector<16xf32>
        %add3A_452 = arith.constant 64 : i32
        %add3A_453 = arith.addi %mul3A_29, %add3A_452 : i32
        %swap3A_454 = arith.index_cast %add3A_453 : i32 to index
        %swap3A_455 = tpu.vector_load %arg8[%swap3A_454] {strides = array<i32>} : memref<64000xf32, #tpu.memory_space<vmem>>, vector<16xf32>,
        %swap3A_456 = vector.shape_cast %swap3A_455 : vector<16xf32> to vector<16xf32>
        %swap3A_457 = vector.shape_cast %add3A_451 : vector<16xf32> to vector<16xf32>
        tpu.vector_store %arg8[%swap3A_454], %swap3A_457 {strides = array<i32>} : memref<64000xf32, #tpu.memory_space<vmem>>, vector<16xf32>,
        %mul3A_458 = arith.mulf %get3A_58, %mul3A_377 : vector<16xf32>
        %sub3A_459 = arith.subf %mul3A_458, %mul3A_378 : vector<16xf32>
        %get3A_460 = arith.constant 80 : index
        %get3A_461 = tpu.vector_load %arg6[%get3A_460] {strides = array<i32>} : memref<512xf32, #tpu.memory_space<vmem>>, vector<16xf32>,
        %get3A_462 = vector.shape_cast %get3A_461 : vector<16xf32> to vector<16xf32>
        %mul3A_463 = arith.mulf %sub3A_459, %get3A_462 : vector<16xf32>
        %get3A_464 = arith.constant 80 : index
        %get3A_465 = tpu.vector_load %arg7[%get3A_464] {strides = array<i32>} : memref<512xf32, #tpu.memory_space<vmem>>, vector<16xf32>,
        %get3A_466 = vector.shape_cast %get3A_465 : vector<16xf32> to vector<16xf32>
        %add3A_467 = arith.addf %mul3A_463, %get3A_466 : vector<16xf32>
        %add3A_468 = arith.constant 80 : i32
        %add3A_469 = arith.addi %mul3A_29, %add3A_468 : i32
        %swap3A_470 = arith.index_cast %add3A_469 : i32 to index
        %swap3A_471 = tpu.vector_load %arg8[%swap3A_470] {strides = array<i32>} : memref<64000xf32, #tpu.memory_space<vmem>>, vector<16xf32>,
        %swap3A_472 = vector.shape_cast %swap3A_471 : vector<16xf32> to vector<16xf32>
        %swap3A_473 = vector.shape_cast %add3A_467 : vector<16xf32> to vector<16xf32>
        tpu.vector_store %arg8[%swap3A_470], %swap3A_473 {strides = array<i32>} : memref<64000xf32, #tpu.memory_space<vmem>>, vector<16xf32>,
        %mul3A_474 = arith.mulf %get3A_63, %mul3A_377 : vector<16xf32>
        %sub3A_475 = arith.subf %mul3A_474, %mul3A_378 : vector<16xf32>
        %get3A_476 = arith.constant 96 : index
        %get3A_477 = tpu.vector_load %arg6[%get3A_476] {strides = array<i32>} : memref<512xf32, #tpu.memory_space<vmem>>, vector<16xf32>,
        %get3A_478 = vector.shape_cast %get3A_477 : vector<16xf32> to vector<16xf32>
        %mul3A_479 = arith.mulf %sub3A_475, %get3A_478 : vector<16xf32>
        %get3A_480 = arith.constant 96 : index
        %get3A_481 = tpu.vector_load %arg7[%get3A_480] {strides = array<i32>} : memref<512xf32, #tpu.memory_space<vmem>>, vector<16xf32>,
        %get3A_482 = vector.shape_cast %get3A_481 : vector<16xf32> to vector<16xf32>
        %add3A_483 = arith.addf %mul3A_479, %get3A_482 : vector<16xf32>
        %add3A_484 = arith.constant 96 : i32
        %add3A_485 = arith.addi %mul3A_29, %add3A_484 : i32
        %swap3A_486 = arith.index_cast %add3A_485 : i32 to index
        %swap3A_487 = tpu.vector_load %arg8[%swap3A_486] {strides = array<i32>} : memref<64000xf32, #tpu.memory_space<vmem>>, vector<16xf32>,
        %swap3A_488 = vector.shape_cast %swap3A_487 : vector<16xf32> to vector<16xf32>
        %swap3A_489 = vector.shape_cast %add3A_483 : vector<16xf32> to vector<16xf32>
        tpu.vector_store %arg8[%swap3A_486], %swap3A_489 {strides = array<i32>} : memref<64000xf32, #tpu.memory_space<vmem>>, vector<16xf32>,
        %mul3A_490 = arith.mulf %get3A_68, %mul3A_377 : vector<16xf32>
        %sub3A_491 = arith.subf %mul3A_490, %mul3A_378 : vector<16xf32>
        %get3A_492 = arith.constant 112 : index
        %get3A_493 = tpu.vector_load %arg6[%get3A_492] {strides = array<i32>} : memref<512xf32, #tpu.memory_space<vmem>>, vector<16xf32>,
        %get3A_494 = vector.shape_cast %get3A_493 : vector<16xf32> to vector<16xf32>
        %mul3A_495 = arith.mulf %sub3A_491, %get3A_494 : vector<16xf32>
        %get3A_496 = arith.constant 112 : index
        %get3A_497 = tpu.vector_load %arg7[%get3A_496] {strides = array<i32>} : memref<512xf32, #tpu.memory_space<vmem>>, vector<16xf32>,
        %get3A_498 = vector.shape_cast %get3A_497 : vector<16xf32> to vector<16xf32>
        %add3A_499 = arith.addf %mul3A_495, %get3A_498 : vector<16xf32>
        %add3A_500 = arith.constant 112 : i32
        %add3A_501 = arith.addi %mul3A_29, %add3A_500 : i32
        %swap3A_502 = arith.index_cast %add3A_501 : i32 to index
        %swap3A_503 = tpu.vector_load %arg8[%swap3A_502] {strides = array<i32>} : memref<64000xf32, #tpu.memory_space<vmem>>, vector<16xf32>,
        %swap3A_504 = vector.shape_cast %swap3A_503 : vector<16xf32> to vector<16xf32>
        %swap3A_505 = vector.shape_cast %add3A_499 : vector<16xf32> to vector<16xf32>
        tpu.vector_store %arg8[%swap3A_502], %swap3A_505 {strides = array<i32>} : memref<64000xf32, #tpu.memory_space<vmem>>, vector<16xf32>,
        %mul3A_506 = arith.mulf %get3A_73, %mul3A_377 : vector<16xf32>
        %sub3A_507 = arith.subf %mul3A_506, %mul3A_378 : vector<16xf32>
        %get3A_508 = arith.constant 128 : index
        %get3A_509 = tpu.vector_load %arg6[%get3A_508] {strides = array<i32>} : memref<512xf32, #tpu.memory_space<vmem>>, vector<16xf32>,
        %get3A_510 = vector.shape_cast %get3A_509 : vector<16xf32> to vector<16xf32>
        %mul3A_511 = arith.mulf %sub3A_507, %get3A_510 : vector<16xf32>
        %get3A_512 = arith.constant 128 : index
        %get3A_513 = tpu.vector_load %arg7[%get3A_512] {strides = array<i32>} : memref<512xf32, #tpu.memory_space<vmem>>, vector<16xf32>,
        %get3A_514 = vector.shape_cast %get3A_513 : vector<16xf32> to vector<16xf32>
        %add3A_515 = arith.addf %mul3A_511, %get3A_514 : vector<16xf32>
        %add3A_516 = arith.constant 128 : i32
        %add3A_517 = arith.addi %mul3A_29, %add3A_516 : i32
        %swap3A_518 = arith.index_cast %add3A_517 : i32 to index
        %swap3A_519 = tpu.vector_load %arg8[%swap3A_518] {strides = array<i32>} : memref<64000xf32, #tpu.memory_space<vmem>>, vector<16xf32>,
        %swap3A_520 = vector.shape_cast %swap3A_519 : vector<16xf32> to vector<16xf32>
        %swap3A_521 = vector.shape_cast %add3A_515 : vector<16xf32> to vector<16xf32>
        tpu.vector_store %arg8[%swap3A_518], %swap3A_521 {strides = array<i32>} : memref<64000xf32, #tpu.memory_space<vmem>>, vector<16xf32>,
        %mul3A_522 = arith.mulf %get3A_78, %mul3A_377 : vector<16xf32>
        %sub3A_523 = arith.subf %mul3A_522, %mul3A_378 : vector<16xf32>
        %get3A_524 = arith.constant 144 : index
        %get3A_525 = tpu.vector_load %arg6[%get3A_524] {strides = array<i32>} : memref<512xf32, #tpu.memory_space<vmem>>, vector<16xf32>,
        %get3A_526 = vector.shape_cast %get3A_525 : vector<16xf32> to vector<16xf32>
        %mul3A_527 = arith.mulf %sub3A_523, %get3A_526 : vector<16xf32>
        %get3A_528 = arith.constant 144 : index
        %get3A_529 = tpu.vector_load %arg7[%get3A_528] {strides = array<i32>} : memref<512xf32, #tpu.memory_space<vmem>>, vector<16xf32>,
        %get3A_530 = vector.shape_cast %get3A_529 : vector<16xf32> to vector<16xf32>
        %add3A_531 = arith.addf %mul3A_527, %get3A_530 : vector<16xf32>
        %add3A_532 = arith.constant 144 : i32
        %add3A_533 = arith.addi %mul3A_29, %add3A_532 : i32
        %swap3A_534 = arith.index_cast %add3A_533 : i32 to index
        %swap3A_535 = tpu.vector_load %arg8[%swap3A_534] {strides = array<i32>} : memref<64000xf32, #tpu.memory_space<vmem>>, vector<16xf32>,
        %swap3A_536 = vector.shape_cast %swap3A_535 : vector<16xf32> to vector<16xf32>
        %swap3A_537 = vector.shape_cast %add3A_531 : vector<16xf32> to vector<16xf32>
        tpu.vector_store %arg8[%swap3A_534], %swap3A_537 {strides = array<i32>} : memref<64000xf32, #tpu.memory_space<vmem>>, vector<16xf32>,
        %mul3A_538 = arith.mulf %get3A_83, %mul3A_377 : vector<16xf32>
        %sub3A_539 = arith.subf %mul3A_538, %mul3A_378 : vector<16xf32>
        %get3A_540 = arith.constant 160 : index
        %get3A_541 = tpu.vector_load %arg6[%get3A_540] {strides = array<i32>} : memref<512xf32, #tpu.memory_space<vmem>>, vector<16xf32>,
        %get3A_542 = vector.shape_cast %get3A_541 : vector<16xf32> to vector<16xf32>
        %mul3A_543 = arith.mulf %sub3A_539, %get3A_542 : vector<16xf32>
        %get3A_544 = arith.constant 160 : index
        %get3A_545 = tpu.vector_load %arg7[%get3A_544] {strides = array<i32>} : memref<512xf32, #tpu.memory_space<vmem>>, vector<16xf32>,
        %get3A_546 = vector.shape_cast %get3A_545 : vector<16xf32> to vector<16xf32>
        %add3A_547 = arith.addf %mul3A_543, %get3A_546 : vector<16xf32>
        %add3A_548 = arith.constant 160 : i32
        %add3A_549 = arith.addi %mul3A_29, %add3A_548 : i32
        %swap3A_550 = arith.index_cast %add3A_549 : i32 to index
        %swap3A_551 = tpu.vector_load %arg8[%swap3A_550] {strides = array<i32>} : memref<64000xf32, #tpu.memory_space<vmem>>, vector<16xf32>,
        %swap3A_552 = vector.shape_cast %swap3A_551 : vector<16xf32> to vector<16xf32>
        %swap3A_553 = vector.shape_cast %add3A_547 : vector<16xf32> to vector<16xf32>
        tpu.vector_store %arg8[%swap3A_550], %swap3A_553 {strides = array<i32>} : memref<64000xf32, #tpu.memory_space<vmem>>, vector<16xf32>,
        %mul3A_554 = arith.mulf %get3A_88, %mul3A_377 : vector<16xf32>
        %sub3A_555 = arith.subf %mul3A_554, %mul3A_378 : vector<16xf32>
        %get3A_556 = arith.constant 176 : index
        %get3A_557 = tpu.vector_load %arg6[%get3A_556] {strides = array<i32>} : memref<512xf32, #tpu.memory_space<vmem>>, vector<16xf32>,
        %get3A_558 = vector.shape_cast %get3A_557 : vector<16xf32> to vector<16xf32>
        %mul3A_559 = arith.mulf %sub3A_555, %get3A_558 : vector<16xf32>
        %get3A_560 = arith.constant 176 : index
        %get3A_561 = tpu.vector_load %arg7[%get3A_560] {strides = array<i32>} : memref<512xf32, #tpu.memory_space<vmem>>, vector<16xf32>,
        %get3A_562 = vector.shape_cast %get3A_561 : vector<16xf32> to vector<16xf32>
        %add3A_563 = arith.addf %mul3A_559, %get3A_562 : vector<16xf32>
        %add3A_564 = arith.constant 176 : i32
        %add3A_565 = arith.addi %mul3A_29, %add3A_564 : i32
        %swap3A_566 = arith.index_cast %add3A_565 : i32 to index
        %swap3A_567 = tpu.vector_load %arg8[%swap3A_566] {strides = array<i32>} : memref<64000xf32, #tpu.memory_space<vmem>>, vector<16xf32>,
        %swap3A_568 = vector.shape_cast %swap3A_567 : vector<16xf32> to vector<16xf32>
        %swap3A_569 = vector.shape_cast %add3A_563 : vector<16xf32> to vector<16xf32>
        tpu.vector_store %arg8[%swap3A_566], %swap3A_569 {strides = array<i32>} : memref<64000xf32, #tpu.memory_space<vmem>>, vector<16xf32>,
        %mul3A_570 = arith.mulf %get3A_93, %mul3A_377 : vector<16xf32>
        %sub3A_571 = arith.subf %mul3A_570, %mul3A_378 : vector<16xf32>
        %get3A_572 = arith.constant 192 : index
        %get3A_573 = tpu.vector_load %arg6[%get3A_572] {strides = array<i32>} : memref<512xf32, #tpu.memory_space<vmem>>, vector<16xf32>,
        %get3A_574 = vector.shape_cast %get3A_573 : vector<16xf32> to vector<16xf32>
        %mul3A_575 = arith.mulf %sub3A_571, %get3A_574 : vector<16xf32>
        %get3A_576 = arith.constant 192 : index
        %get3A_577 = tpu.vector_load %arg7[%get3A_576] {strides = array<i32>} : memref<512xf32, #tpu.memory_space<vmem>>, vector<16xf32>,
        %get3A_578 = vector.shape_cast %get3A_577 : vector<16xf32> to vector<16xf32>
        %add3A_579 = arith.addf %mul3A_575, %get3A_578 : vector<16xf32>
        %add3A_580 = arith.constant 192 : i32
        %add3A_581 = arith.addi %mul3A_29, %add3A_580 : i32
        %swap3A_582 = arith.index_cast %add3A_581 : i32 to index
        %swap3A_583 = tpu.vector_load %arg8[%swap3A_582] {strides = array<i32>} : memref<64000xf32, #tpu.memory_space<vmem>>, vector<16xf32>,
        %swap3A_584 = vector.shape_cast %swap3A_583 : vector<16xf32> to vector<16xf32>
        %swap3A_585 = vector.shape_cast %add3A_579 : vector<16xf32> to vector<16xf32>
        tpu.vector_store %arg8[%swap3A_582], %swap3A_585 {strides = array<i32>} : memref<64000xf32, #tpu.memory_space<vmem>>, vector<16xf32>,
        %mul3A_586 = arith.mulf %get3A_98, %mul3A_377 : vector<16xf32>
        %sub3A_587 = arith.subf %mul3A_586, %mul3A_378 : vector<16xf32>
        %get3A_588 = arith.constant 208 : index
        %get3A_589 = tpu.vector_load %arg6[%get3A_588] {strides = array<i32>} : memref<512xf32, #tpu.memory_space<vmem>>, vector<16xf32>,
        %get3A_590 = vector.shape_cast %get3A_589 : vector<16xf32> to vector<16xf32>
        %mul3A_591 = arith.mulf %sub3A_587, %get3A_590 : vector<16xf32>
        %get3A_592 = arith.constant 208 : index
        %get3A_593 = tpu.vector_load %arg7[%get3A_592] {strides = array<i32>} : memref<512xf32, #tpu.memory_space<vmem>>, vector<16xf32>,
        %get3A_594 = vector.shape_cast %get3A_593 : vector<16xf32> to vector<16xf32>
        %add3A_595 = arith.addf %mul3A_591, %get3A_594 : vector<16xf32>
        %add3A_596 = arith.constant 208 : i32
        %add3A_597 = arith.addi %mul3A_29, %add3A_596 : i32
        %swap3A_598 = arith.index_cast %add3A_597 : i32 to index
        %swap3A_599 = tpu.vector_load %arg8[%swap3A_598] {strides = array<i32>} : memref<64000xf32, #tpu.memory_space<vmem>>, vector<16xf32>,
        %swap3A_600 = vector.shape_cast %swap3A_599 : vector<16xf32> to vector<16xf32>
        %swap3A_601 = vector.shape_cast %add3A_595 : vector<16xf32> to vector<16xf32>
        tpu.vector_store %arg8[%swap3A_598], %swap3A_601 {strides = array<i32>} : memref<64000xf32, #tpu.memory_space<vmem>>, vector<16xf32>,
        %mul3A_602 = arith.mulf %get3A_103, %mul3A_377 : vector<16xf32>
        %sub3A_603 = arith.subf %mul3A_602, %mul3A_378 : vector<16xf32>
        %get3A_604 = arith.constant 224 : index
        %get3A_605 = tpu.vector_load %arg6[%get3A_604] {strides = array<i32>} : memref<512xf32, #tpu.memory_space<vmem>>, vector<16xf32>,
        %get3A_606 = vector.shape_cast %get3A_605 : vector<16xf32> to vector<16xf32>
        %mul3A_607 = arith.mulf %sub3A_603, %get3A_606 : vector<16xf32>
        %get3A_608 = arith.constant 224 : index
        %get3A_609 = tpu.vector_load %arg7[%get3A_608] {strides = array<i32>} : memref<512xf32, #tpu.memory_space<vmem>>, vector<16xf32>,
        %get3A_610 = vector.shape_cast %get3A_609 : vector<16xf32> to vector<16xf32>
        %add3A_611 = arith.addf %mul3A_607, %get3A_610 : vector<16xf32>
        %add3A_612 = arith.constant 224 : i32
        %add3A_613 = arith.addi %mul3A_29, %add3A_612 : i32
        %swap3A_614 = arith.index_cast %add3A_613 : i32 to index
        %swap3A_615 = tpu.vector_load %arg8[%swap3A_614] {strides = array<i32>} : memref<64000xf32, #tpu.memory_space<vmem>>, vector<16xf32>,
        %swap3A_616 = vector.shape_cast %swap3A_615 : vector<16xf32> to vector<16xf32>
        %swap3A_617 = vector.shape_cast %add3A_611 : vector<16xf32> to vector<16xf32>
        tpu.vector_store %arg8[%swap3A_614], %swap3A_617 {strides = array<i32>} : memref<64000xf32, #tpu.memory_space<vmem>>, vector<16xf32>,
        %mul3A_618 = arith.mulf %get3A_108, %mul3A_377 : vector<16xf32>
        %sub3A_619 = arith.subf %mul3A_618, %mul3A_378 : vector<16xf32>
        %get3A_620 = arith.constant 240 : index
        %get3A_621 = tpu.vector_load %arg6[%get3A_620] {strides = array<i32>} : memref<512xf32, #tpu.memory_space<vmem>>, vector<16xf32>,
        %get3A_622 = vector.shape_cast %get3A_621 : vector<16xf32> to vector<16xf32>
        %mul3A_623 = arith.mulf %sub3A_619, %get3A_622 : vector<16xf32>
        %get3A_624 = arith.constant 240 : index
        %get3A_625 = tpu.vector_load %arg7[%get3A_624] {strides = array<i32>} : memref<512xf32, #tpu.memory_space<vmem>>, vector<16xf32>,
        %get3A_626 = vector.shape_cast %get3A_625 : vector<16xf32> to vector<16xf32>
        %add3A_627 = arith.addf %mul3A_623, %get3A_626 : vector<16xf32>
        %add3A_628 = arith.constant 240 : i32
        %add3A_629 = arith.addi %mul3A_29, %add3A_628 : i32
        %swap3A_630 = arith.index_cast %add3A_629 : i32 to index
        %swap3A_631 = tpu.vector_load %arg8[%swap3A_630] {strides = array<i32>} : memref<64000xf32, #tpu.memory_space<vmem>>, vector<16xf32>,
        %swap3A_632 = vector.shape_cast %swap3A_631 : vector<16xf32> to vector<16xf32>
        %swap3A_633 = vector.shape_cast %add3A_627 : vector<16xf32> to vector<16xf32>
        tpu.vector_store %arg8[%swap3A_630], %swap3A_633 {strides = array<i32>} : memref<64000xf32, #tpu.memory_space<vmem>>, vector<16xf32>,
        %mul3A_634 = arith.mulf %get3A_113, %mul3A_377 : vector<16xf32>
        %sub3A_635 = arith.subf %mul3A_634, %mul3A_378 : vector<16xf32>
        %get3A_636 = arith.constant 256 : index
        %get3A_637 = tpu.vector_load %arg6[%get3A_636] {strides = array<i32>} : memref<512xf32, #tpu.memory_space<vmem>>, vector<16xf32>,
        %get3A_638 = vector.shape_cast %get3A_637 : vector<16xf32> to vector<16xf32>
        %mul3A_639 = arith.mulf %sub3A_635, %get3A_638 : vector<16xf32>
        %get3A_640 = arith.constant 256 : index
        %get3A_641 = tpu.vector_load %arg7[%get3A_640] {strides = array<i32>} : memref<512xf32, #tpu.memory_space<vmem>>, vector<16xf32>,
        %get3A_642 = vector.shape_cast %get3A_641 : vector<16xf32> to vector<16xf32>
        %add3A_643 = arith.addf %mul3A_639, %get3A_642 : vector<16xf32>
        %add3A_644 = arith.constant 256 : i32
        %add3A_645 = arith.addi %mul3A_29, %add3A_644 : i32
        %swap3A_646 = arith.index_cast %add3A_645 : i32 to index
        %swap3A_647 = tpu.vector_load %arg8[%swap3A_646] {strides = array<i32>} : memref<64000xf32, #tpu.memory_space<vmem>>, vector<16xf32>,
        %swap3A_648 = vector.shape_cast %swap3A_647 : vector<16xf32> to vector<16xf32>
        %swap3A_649 = vector.shape_cast %add3A_643 : vector<16xf32> to vector<16xf32>
        tpu.vector_store %arg8[%swap3A_646], %swap3A_649 {strides = array<i32>} : memref<64000xf32, #tpu.memory_space<vmem>>, vector<16xf32>,
        %mul3A_650 = arith.mulf %get3A_118, %mul3A_377 : vector<16xf32>
        %sub3A_651 = arith.subf %mul3A_650, %mul3A_378 : vector<16xf32>
        %get3A_652 = arith.constant 272 : index
        %get3A_653 = tpu.vector_load %arg6[%get3A_652] {strides = array<i32>} : memref<512xf32, #tpu.memory_space<vmem>>, vector<16xf32>,
        %get3A_654 = vector.shape_cast %get3A_653 : vector<16xf32> to vector<16xf32>
        %mul3A_655 = arith.mulf %sub3A_651, %get3A_654 : vector<16xf32>
        %get3A_656 = arith.constant 272 : index
        %get3A_657 = tpu.vector_load %arg7[%get3A_656] {strides = array<i32>} : memref<512xf32, #tpu.memory_space<vmem>>, vector<16xf32>,
        %get3A_658 = vector.shape_cast %get3A_657 : vector<16xf32> to vector<16xf32>
        %add3A_659 = arith.addf %mul3A_655, %get3A_658 : vector<16xf32>
        %add3A_660 = arith.constant 272 : i32
        %add3A_661 = arith.addi %mul3A_29, %add3A_660 : i32
        %swap3A_662 = arith.index_cast %add3A_661 : i32 to index
        %swap3A_663 = tpu.vector_load %arg8[%swap3A_662] {strides = array<i32>} : memref<64000xf32, #tpu.memory_space<vmem>>, vector<16xf32>,
        %swap3A_664 = vector.shape_cast %swap3A_663 : vector<16xf32> to vector<16xf32>
        %swap3A_665 = vector.shape_cast %add3A_659 : vector<16xf32> to vector<16xf32>
        tpu.vector_store %arg8[%swap3A_662], %swap3A_665 {strides = array<i32>} : memref<64000xf32, #tpu.memory_space<vmem>>, vector<16xf32>,
        %mul3A_666 = arith.mulf %get3A_123, %mul3A_377 : vector<16xf32>
        %sub3A_667 = arith.subf %mul3A_666, %mul3A_378 : vector<16xf32>
        %get3A_668 = arith.constant 288 : index
        %get3A_669 = tpu.vector_load %arg6[%get3A_668] {strides = array<i32>} : memref<512xf32, #tpu.memory_space<vmem>>, vector<16xf32>,
        %get3A_670 = vector.shape_cast %get3A_669 : vector<16xf32> to vector<16xf32>
        %mul3A_671 = arith.mulf %sub3A_667, %get3A_670 : vector<16xf32>
        %get3A_672 = arith.constant 288 : index
        %get3A_673 = tpu.vector_load %arg7[%get3A_672] {strides = array<i32>} : memref<512xf32, #tpu.memory_space<vmem>>, vector<16xf32>,
        %get3A_674 = vector.shape_cast %get3A_673 : vector<16xf32> to vector<16xf32>
        %add3A_675 = arith.addf %mul3A_671, %get3A_674 : vector<16xf32>
        %add3A_676 = arith.constant 288 : i32
        %add3A_677 = arith.addi %mul3A_29, %add3A_676 : i32
        %swap3A_678 = arith.index_cast %add3A_677 : i32 to index
        %swap3A_679 = tpu.vector_load %arg8[%swap3A_678] {strides = array<i32>} : memref<64000xf32, #tpu.memory_space<vmem>>, vector<16xf32>,
        %swap3A_680 = vector.shape_cast %swap3A_679 : vector<16xf32> to vector<16xf32>
        %swap3A_681 = vector.shape_cast %add3A_675 : vector<16xf32> to vector<16xf32>
        tpu.vector_store %arg8[%swap3A_678], %swap3A_681 {strides = array<i32>} : memref<64000xf32, #tpu.memory_space<vmem>>, vector<16xf32>,
        %mul3A_682 = arith.mulf %get3A_128, %mul3A_377 : vector<16xf32>
        %sub3A_683 = arith.subf %mul3A_682, %mul3A_378 : vector<16xf32>
        %get3A_684 = arith.constant 304 : index
        %get3A_685 = tpu.vector_load %arg6[%get3A_684] {strides = array<i32>} : memref<512xf32, #tpu.memory_space<vmem>>, vector<16xf32>,
        %get3A_686 = vector.shape_cast %get3A_685 : vector<16xf32> to vector<16xf32>
        %mul3A_687 = arith.mulf %sub3A_683, %get3A_686 : vector<16xf32>
        %get3A_688 = arith.constant 304 : index
        %get3A_689 = tpu.vector_load %arg7[%get3A_688] {strides = array<i32>} : memref<512xf32, #tpu.memory_space<vmem>>, vector<16xf32>,
        %get3A_690 = vector.shape_cast %get3A_689 : vector<16xf32> to vector<16xf32>
        %add3A_691 = arith.addf %mul3A_687, %get3A_690 : vector<16xf32>
        %add3A_692 = arith.constant 304 : i32
        %add3A_693 = arith.addi %mul3A_29, %add3A_692 : i32
        %swap3A_694 = arith.index_cast %add3A_693 : i32 to index
        %swap3A_695 = tpu.vector_load %arg8[%swap3A_694] {strides = array<i32>} : memref<64000xf32, #tpu.memory_space<vmem>>, vector<16xf32>,
        %swap3A_696 = vector.shape_cast %swap3A_695 : vector<16xf32> to vector<16xf32>
        %swap3A_697 = vector.shape_cast %add3A_691 : vector<16xf32> to vector<16xf32>
        tpu.vector_store %arg8[%swap3A_694], %swap3A_697 {strides = array<i32>} : memref<64000xf32, #tpu.memory_space<vmem>>, vector<16xf32>,
        %mul3A_698 = arith.mulf %get3A_133, %mul3A_377 : vector<16xf32>
        %sub3A_699 = arith.subf %mul3A_698, %mul3A_378 : vector<16xf32>
        %get3A_700 = arith.constant 320 : index
        %get3A_701 = tpu.vector_load %arg6[%get3A_700] {strides = array<i32>} : memref<512xf32, #tpu.memory_space<vmem>>, vector<16xf32>,
        %get3A_702 = vector.shape_cast %get3A_701 : vector<16xf32> to vector<16xf32>
        %mul3A_703 = arith.mulf %sub3A_699, %get3A_702 : vector<16xf32>
        %get3A_704 = arith.constant 320 : index
        %get3A_705 = tpu.vector_load %arg7[%get3A_704] {strides = array<i32>} : memref<512xf32, #tpu.memory_space<vmem>>, vector<16xf32>,
        %get3A_706 = vector.shape_cast %get3A_705 : vector<16xf32> to vector<16xf32>
        %add3A_707 = arith.addf %mul3A_703, %get3A_706 : vector<16xf32>
        %add3A_708 = arith.constant 320 : i32
        %add3A_709 = arith.addi %mul3A_29, %add3A_708 : i32
        %swap3A_710 = arith.index_cast %add3A_709 : i32 to index
        %swap3A_711 = tpu.vector_load %arg8[%swap3A_710] {strides = array<i32>} : memref<64000xf32, #tpu.memory_space<vmem>>, vector<16xf32>,
        %swap3A_712 = vector.shape_cast %swap3A_711 : vector<16xf32> to vector<16xf32>
        %swap3A_713 = vector.shape_cast %add3A_707 : vector<16xf32> to vector<16xf32>
        tpu.vector_store %arg8[%swap3A_710], %swap3A_713 {strides = array<i32>} : memref<64000xf32, #tpu.memory_space<vmem>>, vector<16xf32>,
        %mul3A_714 = arith.mulf %get3A_138, %mul3A_377 : vector<16xf32>
        %sub3A_715 = arith.subf %mul3A_714, %mul3A_378 : vector<16xf32>
        %get3A_716 = arith.constant 336 : index
        %get3A_717 = tpu.vector_load %arg6[%get3A_716] {strides = array<i32>} : memref<512xf32, #tpu.memory_space<vmem>>, vector<16xf32>,
        %get3A_718 = vector.shape_cast %get3A_717 : vector<16xf32> to vector<16xf32>
        %mul3A_719 = arith.mulf %sub3A_715, %get3A_718 : vector<16xf32>
        %get3A_720 = arith.constant 336 : index
        %get3A_721 = tpu.vector_load %arg7[%get3A_720] {strides = array<i32>} : memref<512xf32, #tpu.memory_space<vmem>>, vector<16xf32>,
        %get3A_722 = vector.shape_cast %get3A_721 : vector<16xf32> to vector<16xf32>
        %add3A_723 = arith.addf %mul3A_719, %get3A_722 : vector<16xf32>
        %add3A_724 = arith.constant 336 : i32
        %add3A_725 = arith.addi %mul3A_29, %add3A_724 : i32
        %swap3A_726 = arith.index_cast %add3A_725 : i32 to index
        %swap3A_727 = tpu.vector_load %arg8[%swap3A_726] {strides = array<i32>} : memref<64000xf32, #tpu.memory_space<vmem>>, vector<16xf32>,
        %swap3A_728 = vector.shape_cast %swap3A_727 : vector<16xf32> to vector<16xf32>
        %swap3A_729 = vector.shape_cast %add3A_723 : vector<16xf32> to vector<16xf32>
        tpu.vector_store %arg8[%swap3A_726], %swap3A_729 {strides = array<i32>} : memref<64000xf32, #tpu.memory_space<vmem>>, vector<16xf32>,
        %mul3A_730 = arith.mulf %get3A_143, %mul3A_377 : vector<16xf32>
        %sub3A_731 = arith.subf %mul3A_730, %mul3A_378 : vector<16xf32>
        %get3A_732 = arith.constant 352 : index
        %get3A_733 = tpu.vector_load %arg6[%get3A_732] {strides = array<i32>} : memref<512xf32, #tpu.memory_space<vmem>>, vector<16xf32>,
        %get3A_734 = vector.shape_cast %get3A_733 : vector<16xf32> to vector<16xf32>
        %mul3A_735 = arith.mulf %sub3A_731, %get3A_734 : vector<16xf32>
        %get3A_736 = arith.constant 352 : index
        %get3A_737 = tpu.vector_load %arg7[%get3A_736] {strides = array<i32>} : memref<512xf32, #tpu.memory_space<vmem>>, vector<16xf32>,
        %get3A_738 = vector.shape_cast %get3A_737 : vector<16xf32> to vector<16xf32>
        %add3A_739 = arith.addf %mul3A_735, %get3A_738 : vector<16xf32>
        %add3A_740 = arith.constant 352 : i32
        %add3A_741 = arith.addi %mul3A_29, %add3A_740 : i32
        %swap3A_742 = arith.index_cast %add3A_741 : i32 to index
        %swap3A_743 = tpu.vector_load %arg8[%swap3A_742] {strides = array<i32>} : memref<64000xf32, #tpu.memory_space<vmem>>, vector<16xf32>,
        %swap3A_744 = vector.shape_cast %swap3A_743 : vector<16xf32> to vector<16xf32>
        %swap3A_745 = vector.shape_cast %add3A_739 : vector<16xf32> to vector<16xf32>
        tpu.vector_store %arg8[%swap3A_742], %swap3A_745 {strides = array<i32>} : memref<64000xf32, #tpu.memory_space<vmem>>, vector<16xf32>,
        %mul3A_746 = arith.mulf %get3A_148, %mul3A_377 : vector<16xf32>
        %sub3A_747 = arith.subf %mul3A_746, %mul3A_378 : vector<16xf32>
        %get3A_748 = arith.constant 368 : index
        %get3A_749 = tpu.vector_load %arg6[%get3A_748] {strides = array<i32>} : memref<512xf32, #tpu.memory_space<vmem>>, vector<16xf32>,
        %get3A_750 = vector.shape_cast %get3A_749 : vector<16xf32> to vector<16xf32>
        %mul3A_751 = arith.mulf %sub3A_747, %get3A_750 : vector<16xf32>
        %get3A_752 = arith.constant 368 : index
        %get3A_753 = tpu.vector_load %arg7[%get3A_752] {strides = array<i32>} : memref<512xf32, #tpu.memory_space<vmem>>, vector<16xf32>,
        %get3A_754 = vector.shape_cast %get3A_753 : vector<16xf32> to vector<16xf32>
        %add3A_755 = arith.addf %mul3A_751, %get3A_754 : vector<16xf32>
        %add3A_756 = arith.constant 368 : i32
        %add3A_757 = arith.addi %mul3A_29, %add3A_756 : i32
        %swap3A_758 = arith.index_cast %add3A_757 : i32 to index
        %swap3A_759 = tpu.vector_load %arg8[%swap3A_758] {strides = array<i32>} : memref<64000xf32, #tpu.memory_space<vmem>>, vector<16xf32>,
        %swap3A_760 = vector.shape_cast %swap3A_759 : vector<16xf32> to vector<16xf32>
        %swap3A_761 = vector.shape_cast %add3A_755 : vector<16xf32> to vector<16xf32>
        tpu.vector_store %arg8[%swap3A_758], %swap3A_761 {strides = array<i32>} : memref<64000xf32, #tpu.memory_space<vmem>>, vector<16xf32>,
        %mul3A_762 = arith.mulf %get3A_153, %mul3A_377 : vector<16xf32>
        %sub3A_763 = arith.subf %mul3A_762, %mul3A_378 : vector<16xf32>
        %get3A_764 = arith.constant 384 : index
        %get3A_765 = tpu.vector_load %arg6[%get3A_764] {strides = array<i32>} : memref<512xf32, #tpu.memory_space<vmem>>, vector<16xf32>,
        %get3A_766 = vector.shape_cast %get3A_765 : vector<16xf32> to vector<16xf32>
        %mul3A_767 = arith.mulf %sub3A_763, %get3A_766 : vector<16xf32>
        %get3A_768 = arith.constant 384 : index
        %get3A_769 = tpu.vector_load %arg7[%get3A_768] {strides = array<i32>} : memref<512xf32, #tpu.memory_space<vmem>>, vector<16xf32>,
        %get3A_770 = vector.shape_cast %get3A_769 : vector<16xf32> to vector<16xf32>
        %add3A_771 = arith.addf %mul3A_767, %get3A_770 : vector<16xf32>
        %add3A_772 = arith.constant 384 : i32
        %add3A_773 = arith.addi %mul3A_29, %add3A_772 : i32
        %swap3A_774 = arith.index_cast %add3A_773 : i32 to index
        %swap3A_775 = tpu.vector_load %arg8[%swap3A_774] {strides = array<i32>} : memref<64000xf32, #tpu.memory_space<vmem>>, vector<16xf32>,
        %swap3A_776 = vector.shape_cast %swap3A_775 : vector<16xf32> to vector<16xf32>
        %swap3A_777 = vector.shape_cast %add3A_771 : vector<16xf32> to vector<16xf32>
        tpu.vector_store %arg8[%swap3A_774], %swap3A_777 {strides = array<i32>} : memref<64000xf32, #tpu.memory_space<vmem>>, vector<16xf32>,
        %mul3A_778 = arith.mulf %get3A_158, %mul3A_377 : vector<16xf32>
        %sub3A_779 = arith.subf %mul3A_778, %mul3A_378 : vector<16xf32>
        %get3A_780 = arith.constant 400 : index
        %get3A_781 = tpu.vector_load %arg6[%get3A_780] {strides = array<i32>} : memref<512xf32, #tpu.memory_space<vmem>>, vector<16xf32>,
        %get3A_782 = vector.shape_cast %get3A_781 : vector<16xf32> to vector<16xf32>
        %mul3A_783 = arith.mulf %sub3A_779, %get3A_782 : vector<16xf32>
        %get3A_784 = arith.constant 400 : index
        %get3A_785 = tpu.vector_load %arg7[%get3A_784] {strides = array<i32>} : memref<512xf32, #tpu.memory_space<vmem>>, vector<16xf32>,
        %get3A_786 = vector.shape_cast %get3A_785 : vector<16xf32> to vector<16xf32>
        %add3A_787 = arith.addf %mul3A_783, %get3A_786 : vector<16xf32>
        %add3A_788 = arith.constant 400 : i32
        %add3A_789 = arith.addi %mul3A_29, %add3A_788 : i32
        %swap3A_790 = arith.index_cast %add3A_789 : i32 to index
        %swap3A_791 = tpu.vector_load %arg8[%swap3A_790] {strides = array<i32>} : memref<64000xf32, #tpu.memory_space<vmem>>, vector<16xf32>,
        %swap3A_792 = vector.shape_cast %swap3A_791 : vector<16xf32> to vector<16xf32>
        %swap3A_793 = vector.shape_cast %add3A_787 : vector<16xf32> to vector<16xf32>
        tpu.vector_store %arg8[%swap3A_790], %swap3A_793 {strides = array<i32>} : memref<64000xf32, #tpu.memory_space<vmem>>, vector<16xf32>,
        %mul3A_794 = arith.mulf %get3A_163, %mul3A_377 : vector<16xf32>
        %sub3A_795 = arith.subf %mul3A_794, %mul3A_378 : vector<16xf32>
        %get3A_796 = arith.constant 416 : index
        %get3A_797 = tpu.vector_load %arg6[%get3A_796] {strides = array<i32>} : memref<512xf32, #tpu.memory_space<vmem>>, vector<16xf32>,
        %get3A_798 = vector.shape_cast %get3A_797 : vector<16xf32> to vector<16xf32>
        %mul3A_799 = arith.mulf %sub3A_795, %get3A_798 : vector<16xf32>
        %get3A_800 = arith.constant 416 : index
        %get3A_801 = tpu.vector_load %arg7[%get3A_800] {strides = array<i32>} : memref<512xf32, #tpu.memory_space<vmem>>, vector<16xf32>,
        %get3A_802 = vector.shape_cast %get3A_801 : vector<16xf32> to vector<16xf32>
        %add3A_803 = arith.addf %mul3A_799, %get3A_802 : vector<16xf32>
        %add3A_804 = arith.constant 416 : i32
        %add3A_805 = arith.addi %mul3A_29, %add3A_804 : i32
        %swap3A_806 = arith.index_cast %add3A_805 : i32 to index
        %swap3A_807 = tpu.vector_load %arg8[%swap3A_806] {strides = array<i32>} : memref<64000xf32, #tpu.memory_space<vmem>>, vector<16xf32>,
        %swap3A_808 = vector.shape_cast %swap3A_807 : vector<16xf32> to vector<16xf32>
        %swap3A_809 = vector.shape_cast %add3A_803 : vector<16xf32> to vector<16xf32>
        tpu.vector_store %arg8[%swap3A_806], %swap3A_809 {strides = array<i32>} : memref<64000xf32, #tpu.memory_space<vmem>>, vector<16xf32>,
        %mul3A_810 = arith.mulf %get3A_168, %mul3A_377 : vector<16xf32>
        %sub3A_811 = arith.subf %mul3A_810, %mul3A_378 : vector<16xf32>
        %get3A_812 = arith.constant 432 : index
        %get3A_813 = tpu.vector_load %arg6[%get3A_812] {strides = array<i32>} : memref<512xf32, #tpu.memory_space<vmem>>, vector<16xf32>,
        %get3A_814 = vector.shape_cast %get3A_813 : vector<16xf32> to vector<16xf32>
        %mul3A_815 = arith.mulf %sub3A_811, %get3A_814 : vector<16xf32>
        %get3A_816 = arith.constant 432 : index
        %get3A_817 = tpu.vector_load %arg7[%get3A_816] {strides = array<i32>} : memref<512xf32, #tpu.memory_space<vmem>>, vector<16xf32>,
        %get3A_818 = vector.shape_cast %get3A_817 : vector<16xf32> to vector<16xf32>
        %add3A_819 = arith.addf %mul3A_815, %get3A_818 : vector<16xf32>
        %add3A_820 = arith.constant 432 : i32
        %add3A_821 = arith.addi %mul3A_29, %add3A_820 : i32
        %swap3A_822 = arith.index_cast %add3A_821 : i32 to index
        %swap3A_823 = tpu.vector_load %arg8[%swap3A_822] {strides = array<i32>} : memref<64000xf32, #tpu.memory_space<vmem>>, vector<16xf32>,
        %swap3A_824 = vector.shape_cast %swap3A_823 : vector<16xf32> to vector<16xf32>
        %swap3A_825 = vector.shape_cast %add3A_819 : vector<16xf32> to vector<16xf32>
        tpu.vector_store %arg8[%swap3A_822], %swap3A_825 {strides = array<i32>} : memref<64000xf32, #tpu.memory_space<vmem>>, vector<16xf32>,
        %mul3A_826 = arith.mulf %get3A_173, %mul3A_377 : vector<16xf32>
        %sub3A_827 = arith.subf %mul3A_826, %mul3A_378 : vector<16xf32>
        %get3A_828 = arith.constant 448 : index
        %get3A_829 = tpu.vector_load %arg6[%get3A_828] {strides = array<i32>} : memref<512xf32, #tpu.memory_space<vmem>>, vector<16xf32>,
        %get3A_830 = vector.shape_cast %get3A_829 : vector<16xf32> to vector<16xf32>
        %mul3A_831 = arith.mulf %sub3A_827, %get3A_830 : vector<16xf32>
        %get3A_832 = arith.constant 448 : index
        %get3A_833 = tpu.vector_load %arg7[%get3A_832] {strides = array<i32>} : memref<512xf32, #tpu.memory_space<vmem>>, vector<16xf32>,
        %get3A_834 = vector.shape_cast %get3A_833 : vector<16xf32> to vector<16xf32>
        %add3A_835 = arith.addf %mul3A_831, %get3A_834 : vector<16xf32>
        %add3A_836 = arith.constant 448 : i32
        %add3A_837 = arith.addi %mul3A_29, %add3A_836 : i32
        %swap3A_838 = arith.index_cast %add3A_837 : i32 to index
        %swap3A_839 = tpu.vector_load %arg8[%swap3A_838] {strides = array<i32>} : memref<64000xf32, #tpu.memory_space<vmem>>, vector<16xf32>,
        %swap3A_840 = vector.shape_cast %swap3A_839 : vector<16xf32> to vector<16xf32>
        %swap3A_841 = vector.shape_cast %add3A_835 : vector<16xf32> to vector<16xf32>
        tpu.vector_store %arg8[%swap3A_838], %swap3A_841 {strides = array<i32>} : memref<64000xf32, #tpu.memory_space<vmem>>, vector<16xf32>,
        %mul3A_842 = arith.mulf %get3A_178, %mul3A_377 : vector<16xf32>
        %sub3A_843 = arith.subf %mul3A_842, %mul3A_378 : vector<16xf32>
        %get3A_844 = arith.constant 464 : index
        %get3A_845 = tpu.vector_load %arg6[%get3A_844] {strides = array<i32>} : memref<512xf32, #tpu.memory_space<vmem>>, vector<16xf32>,
        %get3A_846 = vector.shape_cast %get3A_845 : vector<16xf32> to vector<16xf32>
        %mul3A_847 = arith.mulf %sub3A_843, %get3A_846 : vector<16xf32>
        %get3A_848 = arith.constant 464 : index
        %get3A_849 = tpu.vector_load %arg7[%get3A_848] {strides = array<i32>} : memref<512xf32, #tpu.memory_space<vmem>>, vector<16xf32>,
        %get3A_850 = vector.shape_cast %get3A_849 : vector<16xf32> to vector<16xf32>
        %add3A_851 = arith.addf %mul3A_847, %get3A_850 : vector<16xf32>
        %add3A_852 = arith.constant 464 : i32
        %add3A_853 = arith.addi %mul3A_29, %add3A_852 : i32
        %swap3A_854 = arith.index_cast %add3A_853 : i32 to index
        %swap3A_855 = tpu.vector_load %arg8[%swap3A_854] {strides = array<i32>} : memref<64000xf32, #tpu.memory_space<vmem>>, vector<16xf32>,
        %swap3A_856 = vector.shape_cast %swap3A_855 : vector<16xf32> to vector<16xf32>
        %swap3A_857 = vector.shape_cast %add3A_851 : vector<16xf32> to vector<16xf32>
        tpu.vector_store %arg8[%swap3A_854], %swap3A_857 {strides = array<i32>} : memref<64000xf32, #tpu.memory_space<vmem>>, vector<16xf32>,
        %mul3A_858 = arith.mulf %get3A_183, %mul3A_377 : vector<16xf32>
        %sub3A_859 = arith.subf %mul3A_858, %mul3A_378 : vector<16xf32>
        %get3A_860 = arith.constant 480 : index
        %get3A_861 = tpu.vector_load %arg6[%get3A_860] {strides = array<i32>} : memref<512xf32, #tpu.memory_space<vmem>>, vector<16xf32>,
        %get3A_862 = vector.shape_cast %get3A_861 : vector<16xf32> to vector<16xf32>
        %mul3A_863 = arith.mulf %sub3A_859, %get3A_862 : vector<16xf32>
        %get3A_864 = arith.constant 480 : index
        %get3A_865 = tpu.vector_load %arg7[%get3A_864] {strides = array<i32>} : memref<512xf32, #tpu.memory_space<vmem>>, vector<16xf32>,
        %get3A_866 = vector.shape_cast %get3A_865 : vector<16xf32> to vector<16xf32>
        %add3A_867 = arith.addf %mul3A_863, %get3A_866 : vector<16xf32>
        %add3A_868 = arith.constant 480 : i32
        %add3A_869 = arith.addi %mul3A_29, %add3A_868 : i32
        %swap3A_870 = arith.index_cast %add3A_869 : i32 to index
        %swap3A_871 = tpu.vector_load %arg8[%swap3A_870] {strides = array<i32>} : memref<64000xf32, #tpu.memory_space<vmem>>, vector<16xf32>,
        %swap3A_872 = vector.shape_cast %swap3A_871 : vector<16xf32> to vector<16xf32>
        %swap3A_873 = vector.shape_cast %add3A_867 : vector<16xf32> to vector<16xf32>
        tpu.vector_store %arg8[%swap3A_870], %swap3A_873 {strides = array<i32>} : memref<64000xf32, #tpu.memory_space<vmem>>, vector<16xf32>,
        %mul3A_874 = arith.mulf %get3A_188, %mul3A_377 : vector<16xf32>
        %sub3A_875 = arith.subf %mul3A_874, %mul3A_378 : vector<16xf32>
        %get3A_876 = arith.constant 496 : index
        %get3A_877 = tpu.vector_load %arg6[%get3A_876] {strides = array<i32>} : memref<512xf32, #tpu.memory_space<vmem>>, vector<16xf32>,
        %get3A_878 = vector.shape_cast %get3A_877 : vector<16xf32> to vector<16xf32>
        %mul3A_879 = arith.mulf %sub3A_875, %get3A_878 : vector<16xf32>
        %get3A_880 = arith.constant 496 : index
        %get3A_881 = tpu.vector_load %arg7[%get3A_880] {strides = array<i32>} : memref<512xf32, #tpu.memory_space<vmem>>, vector<16xf32>,
        %get3A_882 = vector.shape_cast %get3A_881 : vector<16xf32> to vector<16xf32>
        %add3A_883 = arith.addf %mul3A_879, %get3A_882 : vector<16xf32>
        %add3A_884 = arith.constant 496 : i32
        %add3A_885 = arith.addi %mul3A_29, %add3A_884 : i32
        %swap3A_886 = arith.index_cast %add3A_885 : i32 to index
        %swap3A_887 = tpu.vector_load %arg8[%swap3A_886] {strides = array<i32>} : memref<64000xf32, #tpu.memory_space<vmem>>, vector<16xf32>,
        %swap3A_888 = vector.shape_cast %swap3A_887 : vector<16xf32> to vector<16xf32>
        %swap3A_889 = vector.shape_cast %add3A_883 : vector<16xf32> to vector<16xf32>
        tpu.vector_store %arg8[%swap3A_886], %swap3A_889 {strides = array<i32>} : memref<64000xf32, #tpu.memory_space<vmem>>, vector<16xf32>,
        %scan3A_890 = arith.constant 0 : i32
        scf.yield %scan3A_890 : i32
      }
      %scan3A_22 = arith.constant 125 : i32
      %mul3A_23 = arith.constant 512 : i32
      %mul3A_24 = arith.muli %add3A_13, %mul3A_23 : i32
      "tpu.region"() ({
        %run_scoped3A = tpu.sem_alloc : memref<!tpu.dma_semaphore, #tpu.memory_space<semaphore_mem>>
        %dma_start3A = tpu.memref_slice %arg5[%mul3A_24] : memref<51200000xf32, #tpu.memory_space<hbm>> -> memref<64000xf32, #tpu.memory_space<hbm>>
        %dma_start3A_26 = tpu.memref_slice %arg5[%mul3A_24] : memref<51200000xf32, #tpu.memory_space<hbm>> -> memref<64000xf32, #tpu.memory_space<hbm>>
        tpu.enqueue_dma source(%arg8 : memref<64000xf32, #tpu.memory_space<vmem>>) target(%dma_start3A_26 : memref<64000xf32, #tpu.memory_space<hbm>>) target_semaphore(%run_scoped3A : memref<!tpu.dma_semaphore, #tpu.memory_space<semaphore_mem>>)
        %dma_wait3A = tpu.memref_slice %arg5[%mul3A_24] : memref<51200000xf32, #tpu.memory_space<hbm>> -> memref<64000xf32, #tpu.memory_space<hbm>>
        %dma_wait3A_27 = tpu.memref_slice %arg5[%mul3A_24] : memref<51200000xf32, #tpu.memory_space<hbm>> -> memref<64000xf32, #tpu.memory_space<hbm>>
        tpu.wait_dma2 semaphore(%run_scoped3A : memref<!tpu.dma_semaphore, #tpu.memory_space<semaphore_mem>>) src(%arg8 : memref<64000xf32, #tpu.memory_space<vmem>>) dst(%dma_wait3A_27 : memref<64000xf32, #tpu.memory_space<hbm>>)
        tpu.yield
      }) : () -> ()
      %scan3A_25 = arith.constant 0 : i32
      scf.yield %scan3A_25 : i32
    }
    %scan3A_8 = arith.constant 25 : i32
    return
  }
}

</mosaic_0001>

<sc_bundles>
// kernel: kernel.3.cloned.1.call-start
scs
__scs_entry_jumppad:
0x0: {  	(pc) =	sbr.rel $0x88, $3  }
0x1: {  	(tag) =	ssettag $0x0;
	lr =	simm.s32 $0x1  }
0x2: {  	[smem:$0x3F9E] =	sst lr;
	_ =	strace $0xD0000000  }
0x3: {  	_ = 	snop  }
0x4: {  	_ = 	snop  }
0x5: {  	_ = 	snop  }
0x6: {  	_ = 	snop  }
0x7: {  	_ = 	snop  }
__scs_overlays_trampoline_lowered:
0x8: {  	[smem:$0x3FAD] =	sst s0  }
0x9: {  	[smem:$0x3FAE] =	sst s1  }
0xa: {  	[smem:$0x3FAF] =	sst s2  }
0xb: {  	[smem:$0x3FB0] =	sst s3  }
0xc: {  	[smem:$0x3FB1] =	sst s4  }
0xd: {  	[smem:$0x3FB2] =	sst s5  }
0xe: {  	[smem:$0x3FB3] =	sst s6  }
0xf: {  	[smem:$0x3FB4] =	sst s7  }
0x10: {  	[smem:$0x3FB5] =	sst s8  }
0x11: {  	[smem:$0x3FB6] =	sst s9;
	s0 =	simm.s32 @!p0 $0x0  }
0x12: {  	s1 =	sld [smem:$0x3F9C];
	s0 =	simm.s32 @p0 $0x1  }
0x13: {  	[smem:$0x3FB7] =	sst s0;
	s0 =	simm.s32 @!p1 $0x0  }
0x14: {  	s2 =	sld [smem:$0x3F9B];
	s0 =	simm.s32 @p1 $0x1  }
0x15: {  	[smem:$0x3FB8] =	sst s0;
	s0 =	simm.s32 @!p2 $0x0  }
0x16: {  	s3 =	sld [smem:$0x3FDB];
	s0 =	simm.s32 @p2 $0x1  }
0x17: {  	s4 =	simm.s32 $0x1BF5;
	[smem:$0x3FBA] =	sst s0  }
0x18: {  	s0 =	sld [smem:$0x3F9D];
	_ =	swait.ge [sflag:s4], $0x0  }
0x19: {  	s7 =	sld [smem:$0x3F9E]  }
0x1a: {  	s8 =	sadd.s32 $0xFFFFE003, lr  }
0x1b: {  	s9 =	sadd.s32 $0xFFFFFEF7, lr;
	s5 =	simm.s32 $0xFFFFFFFF;
	p2 =	slt.u32 s8, $0xFFFFF086  }
0x1c: {  	p1 =	slt.u32 s9, $0xF7A;
	s5 =	simm.s32 @!p2 $0x0  }
0x1d: {  	s5 =	simm.s32 @p1 $0x1;
	p0 =	seq.s32 s7, s2  }
0x1e: {  	s7 =	smul.u32 @!p0 $0xF7A, s2;
	p2 =	seq.s32 @!p0 s5, $0x0  }
0x1f: {  	s9 =	smul.u32 $0xF7A, s1;
	s8 =	simm.s32 @!p0 $0x1BF5;
	p2 =	por !p2, p0  }
0x20: {  	[sflag:s8] =	ssyncset.s32 @!p0 $0xFFFFF086;
	s6 =	sadd.s32 @!p0 s3, s7;
	s7 =	simm.s32 @!p0 $0x108  }
0x21: {  	s3 =	sadd.s32 s3, s9;
	s6 =	sadd.s32 @!p0 $0x88, s6;
	s7 =	simm.s32 @p2 $0x1082  }
0x22: {  	[simem:s7], [sflag:s8] =	dma.local @!p0 [hbm:s6], $0xF7A  }
0x23: {  	s9 =	sor.u32 $0xD0000000, s2;
	s6 =	simm.s32 $0x108;
	_ =	swait.ge @!p0 [sflag:s8], $0x0  }
0x24: {  	s3 =	sadd.s32 $0x88, s3;
	s6 =	simm.s32 @!p1 $0x1082;
	[sflag:s4] =	ssyncset.s32 $0xFFFFF086  }
0x25: {  	[simem:s6], [sflag:s4] =	dma.local [hbm:s3], $0xF7A  }
0x26: {  	[smem:$0x3F9E] =	sst s1;
	(tag) =	ssettag s2;
	_ =	strace s9  }
0x27: {  	s1 =	sld [smem:$0x3FAE]  }
0x28: {  	s2 =	sld [smem:$0x3FAF]  }
0x29: {  	s4 =	sld [smem:$0x3FB1]  }
0x2a: {  	p0 =	seq.s32 s5, $0x0;
	s5 =	sld [smem:$0x3FB2]  }
0x2b: {  	s6 =	sld [smem:$0x3FB3]  }
0x2c: {  	s7 =	sld [smem:$0x3FB4]  }
0x2d: {  	s3 =	simm.s32 $0x108;
	s8 =	sld [smem:$0x3FB5]  }
0x2e: {  	s3 =	simm.s32 @!p0 $0x1082;
	s9 =	sld [smem:$0x3FB6]  }
0x2f: {  	lr =	sadd.s32 s0, s3;
	s0 =	sld [smem:$0x3FAD]  }
0x30: {  	s3 =	sld [smem:$0x3FB0]  }
0x31: {  	[smem:$0x3FB9] =	sst s10  }
0x32: {  	s10 =	sld [smem:$0x3FB7];
	_ =	sdelay $0x3  }
0x33: {  	p0 =	seq.s32 s10, $0x1;
	s10 =	sld [smem:$0x3FB9];
	_ =	sdelay $0x3  }
0x34: {  	[smem:$0x3FB9] =	sst s10  }
0x35: {  	s10 =	sld [smem:$0x3FB8];
	_ =	sdelay $0x3  }
0x36: {  	p1 =	seq.s32 s10, $0x1;
	s10 =	sld [smem:$0x3FB9];
	_ =	sdelay $0x3  }
0x37: {  	[smem:$0x3FB9] =	sst s10  }
0x38: {  	s10 =	sld [smem:$0x3FBA]  }
0x39: {  	_ = 	snop;
	(pc) =	sbr.ind lr, $3  }
0x3a: {  	_ = 	snop  }
0x3b: {  	_ = 	snop  }
0x3c: {  	p2 =	seq.s32 s10, $0x1;
	s10 =	sld [smem:$0x3FB9]  }
0x3d: {  	_ =	shalt  }
0x3e: {  	_ =	shalt  }
0x3f: {  	_ =	shalt  }
0x40: {  	_ =	shalt  }
0x41: {  	_ =	shalt  }
0x42: {  	_ =	shalt  }
0x43: {  	_ =	shalt  }
0x44: {  	_ =	shalt  }
0x45: {  	_ =	shalt  }
0x46: {  	_ =	shalt  }
0x47: {  	_ =	shalt  }
0x48: {  	_ =	shalt  }
0x49: {  	_ =	shalt  }
0x4a: {  	_ =	shalt  }
0x4b: {  	_ =	shalt  }
0x4c: {  	_ =	shalt  }
0x4d: {  	_ =	shalt  }
0x4e: {  	_ =	shalt  }
0x4f: {  	_ =	shalt  }
0x50: {  	_ =	shalt  }
0x51: {  	_ =	shalt  }
0x52: {  	_ =	shalt  }
0x53: {  	_ =	shalt  }
0x54: {  	_ =	shalt  }
0x55: {  	_ =	shalt  }
0x56: {  	_ =	shalt  }
0x57: {  	_ =	shalt  }
0x58: {  	_ =	shalt  }
0x59: {  	_ =	shalt  }
0x5a: {  	_ =	shalt  }
0x5b: {  	_ =	shalt  }
0x5c: {  	_ =	shalt  }
0x5d: {  	_ =	shalt  }
0x5e: {  	_ =	shalt  }
0x5f: {  	_ =	shalt  }
0x60: {  	_ =	shalt  }
0x61: {  	_ =	shalt  }
0x62: {  	_ =	shalt  }
0x63: {  	_ =	shalt  }
0x64: {  	_ =	shalt  }
0x65: {  	_ =	shalt  }
0x66: {  	_ =	shalt  }
0x67: {  	_ =	shalt  }
0x68: {  	_ =	shalt  }
0x69: {  	_ =	shalt  }
0x6a: {  	_ =	shalt  }
0x6b: {  	_ =	shalt  }
0x6c: {  	_ =	shalt  }
0x6d: {  	_ =	shalt  }
0x6e: {  	_ =	shalt  }
0x6f: {  	_ =	shalt  }
0x70: {  	_ =	shalt  }
0x71: {  	_ =	shalt  }
0x72: {  	_ =	shalt  }
0x73: {  	_ =	shalt  }
0x74: {  	_ =	shalt  }
0x75: {  	_ =	shalt  }
0x76: {  	_ =	shalt  }
0x77: {  	_ =	shalt  }
0x78: {  	_ =	shalt  }
0x79: {  	_ =	shalt  }
0x7a: {  	_ =	shalt  }
0x7b: {  	_ =	shalt  }
0x7c: {  	_ =	shalt  }
0x7d: {  	_ =	shalt  }
0x7e: {  	_ =	shalt  }
0x7f: {  	_ =	shalt  }
0x80: {  	_ =	shalt  }
0x81: {  	_ =	shalt  }
0x82: {  	_ =	shalt  }
0x83: {  	_ =	shalt  }
0x84: {  	_ =	shalt  }
0x85: {  	_ =	shalt  }
0x86: {  	_ =	shalt  }
0x87: {  	_ =	shalt  }
.Lfunc_end0:
.L_simem_size_0:
called_computation.1_lowered:
.L_overlay_start_0:
0x88: {  	s2 =	sld [smem:$0x3FD9]  }
0x89: {  	s3 =	sld [smem:$0x3FFE];
	_ =	sdelay $0x1  }
0x8a: {  	s1 =	srdreg.scid  }
0x8b: {  	s0 =	sand.u32 $0x1, s1  }
0x8c: {  	s17 =	sshll.u32 s0, $0xA;
	s2 =	sadd.s32 s3, s2  }
0x8d: {  	s2 =	sadd.s32 s2, s17  }
0x8e: {  	[smem:$0x3FC5] =	sst s2  }
0x8f: {  	_ = 	snop  }
0x90: {  	s2 =	sld [smem:$0x3FC8]  }
0x91: {  	s18 =	sld [smem:$0x3FC7]  }
0x92: {  	s4 =	sld [smem:$0x3FD0];
	(tm) =	ssettm $0x1  }
0x93: {  	s5 =	sld [smem:$0x3FFB];
	_ =	sdelay $0x3  }
0x94: {  	_ =	strace s5  }
0x95: {  	s5 =	sld [smem:$0x3FFC];
	_ =	sdelay $0x3  }
0x96: {  	_ =	strace s5  }
0x97: {  	s5 =	sld [smem:$0x3FFD];
	_ =	sdelay $0x3  }
0x98: {  	_ =	strace s5  }
0x99: {  	_ =	strace $0x8FFFFFFF  }
0x9a: {  	s19 =	sld [smem:$0x3FDB];
	_ =	sdelay $0x1  }
0x9b: {  	s6 =	simm.s32 $_scs_section_size  }
0x9c: {  	s7 =	simm.s32 $_size__tile_overlayer_lowered;
	s8 =	simm.s32 $_tile_overlayer_lowered  }
0x9d: {  	s22 =	simm.s32 $0x1BFF;
	s21 =	sshll.u32 s8, $0x1;
	s5 =	sadd.s32 s6, s19  }
0x9e: {  	s9 =	simm.s32 $0x0;
	s20 =	sshll.u32 s7, $0x1;
	s7 =	sadd.s32 s21, s5  }
0x9f: {  	[timem:s9], [sflag:s22] =	dma.local [hbm:s7], s20  }
0xa0: {  	_ =	swait.ge [sflag:s22], s20  }
0xa1: {  	s6 =	ssub.s32 $0x0, s20;
	[sflag:s22] =	ssyncset.done $0x0  }
0xa2: {  	[sflag:s22] =	ssyncadd.s32 s6;
	_ =	sdelay $0x1  }
0xa3: {  	s23 =	simm.s32 $0x1B8B  }
0xa4: {  	_ =	swait.ge [sflag:s23], $0x1  }
0xa5: {  	[sflag:s23] =	ssyncset.done $0x0  }
0xa6: {  	s25 =	simm.s32 $0x1B8E;
	s24 =	sld [smem:$0x3FFE];
	[sflag:s23] =	ssyncadd.s32 $0xFFFFFFFF  }
0xa7: {  	s26 =	simm.s32 $execute0_lowered;
	[smem:$0x3FD2] =	sst s25  }
0xa8: {  	s7 =	sshll.u32 s26, $0x1;
	_ =	strace $0x80000049;
	[dreg:$0x1] =	wrdreg $0xFFFFFFFF  }
0xa9: {  	s28 =	simm.s32 $_size_execute0_lowered;
	s5 =	sadd.s32 s5, s7;
	[dreg:$0x0] =	wrdreg $0x0  }
0xaa: {  	s7 =	sshll.u32 s28, $0x1;
	[dreg:$0x2] =	wrdreg s5  }
0xab: {  	[dreg:$0x3] =	wrdreg s7  }
0xac: {  	[dreg:$0x4] =	wrdreg $0xC0  }
0xad: {  	_ =	task [dreg:s9], $0x5FFFF  }
0xae: {  	[dreg:$0x1] =	wrdreg $0xFFFFFFFF  }
0xaf: {  	[dreg:$0x0] =	wrdreg $0x60  }
0xb0: {  	[dreg:$0x2] =	wrdreg s4  }
0xb1: {  	[dreg:$0x3] =	wrdreg s2  }
0xb2: {  	[dreg:$0x4] =	wrdreg s18  }
0xb3: {  	[dreg:$0x5] =	wrdreg s24  }
0xb4: {  	[dreg:$0x6] =	wrdreg $0x9  }
0xb5: {  	_ =	task.clear_ibuf [dreg:s9], $0x7FFFF;
	_ =	strace $0x90000049  }
0xb6: {  	s29 =	simm.s32 $0x9;
	_ =	strace $0x8000004B  }
0xb7: {  	_ =	swait.ge [sflag:s29], $0x1  }
0xb8: {  	[sflag:s29] =	ssyncadd.s32 $0xFFFFFFFF  }
0xb9: {  	_ =	strace $0x9000004B  }
0xba: {  	_ =	sfence  }
0xbb: {  	s30 =	sld [smem:$0x0];
	_ =	sdelay $0x2  }
0xbc: {  	s31 =	sshll.u32 s1, $0xD;
	s1 =	sshrl.u32 s1, $0x2  }
0xbd: {  	s3 =	sand.u32 $0x4000, s31;
	s1 =	sadd.s32 s1, s30  }
0xbe: {  	s0 =	sor.u32 s3, s0;
	s1 =	sshll.u32 s1, $0x11  }
0xbf: {  	s0 =	sor.u32 s1, s0  }
0xc0: {  	s0 =	sadd.s32 $0x8F2B, s0  }
0xc1: {  	[sflag:s0] =	ssyncadd.remote.s32 $0x1  }
0xc2: {  	_ =	sfence.sel $0xFFFF  }
0xc3: {  	[dreg:$0x0] =	wrdreg $0xFFFFFFFF;
	(pc) =	sbr.abs _section_cstart, $3  }
0xc4: {  	[dreg:$0x1] =	wrdreg $0xFFFFFFFF  }
0xc5: {  	_ =	task.clear_ibuf [dreg:s9], $0x2FFFF;
	_ =	strace $0x9FFFFFFF  }
0xc6: {  	(tm) =	ssettm $0x7FFFFFFF  }
0xc7: {  	_ =	shalt  }
tec
execute0_lowered:
.L_overlay_start_1:
0x0: {  	(tag) =	ssettag $0x1  }
0x1: {  	v0 =	vimm.s32 $0xFEDCBA98;
	v1 =	vimm.s32 $0x76543210  }
0x2: {  	v2 =	vimm.s32 $0xBA98FEDC;
	v3 =	vimm.s32 $0x32107654;
	v4 =	vimm.s32 $0xDCFE98BA  }
0x3: {  	s0 =	rddreg [dreg:$0x0];
	v5 =	vimm.s32 $0x54761032;
	v6 =	vimm.s32 $0xEFCDAB89;
	v7 =	vimm.s32 $0x67452301  }
0x4: {  	s1 =	rddreg [dreg:$0x1];
	v0 =	vunpack.c.l.s4.s8 v0;
	v1 =	vunpack.c.l.s4.s8 v1;
	v2 =	vunpack.c.l.s4.s8 v2  }
0x5: {  	s2 =	rddreg [dreg:$0x2];
	v3 =	vunpack.c.l.s4.s8 v3;
	v4 =	vunpack.c.l.s4.s8 v4;
	v5 =	vunpack.c.l.s4.s8 v5  }
0x6: {  	s6 =	rddreg [dreg:$0x3];
	s5 =	srdreg.scid;
	v6 =	vunpack.c.l.s4.s8 v6;
	v7 =	vunpack.c.l.s4.s8 v7;
	v0 =	vunpack.c.0.s8.s32 v0  }
0x7: {  	s3 =	rddreg [dreg:$0x4];
	s4 =	simm.s32 $0x0;
	s11 =	simm.s32 $0x400;
	v2 =	vunpack.c.0.s8.s32 v2;
	v3 =	vunpack.c.0.s8.s32 v3;
	v4 =	vunpack.c.0.s8.s32 v4  }
0x8: {  	s12 =	simm.s32 $0x0;
	s7 =	sand.u32 $0x1, s5;
	[smem:$0x7FF] =	sst s4;
	v5 =	vunpack.c.0.s8.s32 v5;
	v6 =	vunpack.c.0.s8.s32 v6;
	v7 =	vunpack.c.0.s8.s32 v7  }
0x9: {  	s5 =	stileid.u32;
	s6 =	sadd.s32 $0x800, s6;
	s8 =	ssub.s32 $0x2, s7;
	v1 =	vunpack.c.0.s8.s32 v1;
	v2 =	vcombine.low v3, v2  }
0xa: {  	_ =	strace $0x8000004A;
	s10 =	sshll.u32 s5, $0x1;
	s9 =	sshrl.u32 s8, $0x1;
	v3 =	vcombine.low v5, v4;
	v4 =	vcombine.low v7, v6;
	v0 =	vand.u32 $0xF, v0  }
0xb: {  	s7 =	sor.u32 s7, s10;
	s10 =	simm.s32 $0x200;
	s8 =	ssub.s32 s8, s9;
	v0 =	vcombine.low v0, v1  }
0xc: {  	s7 =	smul.u32 $0xC35, s7;
	s9 =	simm.s32 $0x1;
	s8 =	smax.u32 s8, $0x1;
	v1 =	vand.u32 $0xF, v2;
	v2 =	vand.u32 $0xF, v3;
	v3 =	vand.u32 $0xF, v4  }
.LBB2_1:
0xd: {  	[tilespmem:s4], [sflag:$0x1] =	stream.linear.gather [hbm4b:s1+s4], $0x200, $0x38;
	[tilespmem:$0xFE00] =	vst v63  }
0xe: {  	_ =	swait.ge [sflag:s9], $0x200  }
0xf: {  	[sflag:s9] =	ssyncset.done $0x0  }
0x10: {  	[sflag:s9] =	ssyncadd.s32 $0xFFFFFE00  }
0x11: {  	[tilespmem:s10], [sflag:$0x1] =	stream.linear.gather [hbm4b:s2+s4], $0x200, $0x38;
	[tilespmem:$0xFE00] =	vst v63  }
0x12: {  	_ =	swait.ge [sflag:s9], $0x200  }
0x13: {  	[sflag:s9] =	ssyncset.done $0x0  }
0x14: {  	s13 =	simm.s32 $0x0;
	[sflag:s9] =	ssyncadd.s32 $0xFFFFFE00  }
.LBB2_2:
0x15: {  	s14 =	smul.u32 $0x7D, s13;
	_ =	sdelay $0x1  }
0x16: {  	s14 =	sadd.s32 s7, s14  }
0x17: {  	s14 =	sshll.u32 s14, $0x6  }
0x18: {  	s15 =	simm.s32 $0x0;
	s16 =	sadd.s32 s0, s14  }
0x19: {  	[tilespmem:s11], [sflag:$0x1] =	stream.linear.gather [hbm4b:s16+s15], $0xFA00, $0x38;
	[tilespmem:$0xFE00] =	vst v63  }
0x1a: {  	_ =	swait.ge [sflag:s9], $0xFA00  }
0x1b: {  	[sflag:s9] =	ssyncset.done $0x0  }
0x1c: {  	[sflag:s9] =	ssyncadd.s32 $0xFFFF0600  }
.LBB2_3:
0x1d: {  	s16 =	sshra.s32 s15, $0x2  }
0x1e: {  	v37 =	vld [tilespmem:s16+$0x400];
	_ =	sdelay $0x1  }
0x1f: {  	v36 =	vld [tilespmem:s16+$0x410];
	_ =	sdelay $0x1  }
0x20: {  	v35 =	vld [tilespmem:s16+$0x420]  }
0x21: {  	v4 =	vadd.f32 $0.0e+00, v37  }
0x22: {  	v34 =	vld [tilespmem:s16+$0x430]  }
0x23: {  	v5 =	vmul.f32 v37, v37;
	v6 =	vmul.f32 v36, v36;
	v4 =	vadd.f32 v36, v4  }
0x24: {  	v33 =	vld [tilespmem:s16+$0x440]  }
0x25: {  	v9 =	vmul.f32 v35, v35;
	v5 =	vadd.f32 v6, v5;
	v4 =	vadd.f32 v35, v4  }
0x26: {  	v32 =	vld [tilespmem:s16+$0x450]  }
0x27: {  	v10 =	vmul.f32 v34, v34;
	v5 =	vadd.f32 v9, v5;
	v4 =	vadd.f32 v34, v4  }
0x28: {  	v31 =	vld [tilespmem:s16+$0x460]  }
0x29: {  	v11 =	vmul.f32 v33, v33;
	v5 =	vadd.f32 v10, v5;
	v4 =	vadd.f32 v33, v4  }
0x2a: {  	v30 =	vld [tilespmem:s16+$0x470]  }
0x2b: {  	v12 =	vmul.f32 v32, v32;
	v5 =	vadd.f32 v11, v5;
	v4 =	vadd.f32 v32, v4  }
0x2c: {  	v29 =	vld [tilespmem:s16+$0x480]  }
0x2d: {  	v13 =	vmul.f32 v31, v31;
	v5 =	vadd.f32 v12, v5;
	v4 =	vadd.f32 v31, v4  }
0x2e: {  	v28 =	vld [tilespmem:s16+$0x490]  }
0x2f: {  	v14 =	vmul.f32 v30, v30;
	v5 =	vadd.f32 v13, v5;
	v4 =	vadd.f32 v30, v4  }
0x30: {  	v27 =	vld [tilespmem:s16+$0x4A0]  }
0x31: {  	v15 =	vmul.f32 v29, v29;
	v5 =	vadd.f32 v14, v5;
	v4 =	vadd.f32 v29, v4  }
0x32: {  	v26 =	vld [tilespmem:s16+$0x4B0]  }
0x33: {  	v16 =	vmul.f32 v28, v28;
	v5 =	vadd.f32 v15, v5;
	v4 =	vadd.f32 v28, v4  }
0x34: {  	v25 =	vld [tilespmem:s16+$0x4C0]  }
0x35: {  	v17 =	vmul.f32 v27, v27;
	v5 =	vadd.f32 v16, v5;
	v4 =	vadd.f32 v27, v4  }
0x36: {  	v24 =	vld [tilespmem:s16+$0x4D0]  }
0x37: {  	v18 =	vmul.f32 v26, v26;
	v5 =	vadd.f32 v17, v5;
	v4 =	vadd.f32 v26, v4  }
0x38: {  	v23 =	vld [tilespmem:s16+$0x4E0]  }
0x39: {  	v19 =	vmul.f32 v25, v25;
	v5 =	vadd.f32 v18, v5;
	v4 =	vadd.f32 v25, v4  }
0x3a: {  	v22 =	vld [tilespmem:s16+$0x4F0]  }
0x3b: {  	v21 =	vmul.f32 v24, v24;
	v5 =	vadd.f32 v19, v5;
	v4 =	vadd.f32 v24, v4  }
0x3c: {  	v19 =	vld [tilespmem:s16+$0x500]  }
0x3d: {  	v38 =	vmul.f32 v23, v23;
	v5 =	vadd.f32 v21, v5;
	v4 =	vadd.f32 v23, v4  }
0x3e: {  	v18 =	vld [tilespmem:s16+$0x510]  }
0x3f: {  	v39 =	vmul.f32 v22, v22;
	v5 =	vadd.f32 v38, v5;
	v4 =	vadd.f32 v22, v4  }
0x40: {  	v17 =	vld [tilespmem:s16+$0x520]  }
0x41: {  	v40 =	vmul.f32 v19, v19;
	v5 =	vadd.f32 v39, v5;
	v4 =	vadd.f32 v19, v4  }
0x42: {  	v16 =	vld [tilespmem:s16+$0x530]  }
0x43: {  	v41 =	vmul.f32 v18, v18;
	v5 =	vadd.f32 v40, v5;
	v4 =	vadd.f32 v18, v4  }
0x44: {  	v15 =	vld [tilespmem:s16+$0x540]  }
0x45: {  	v42 =	vmul.f32 v17, v17;
	v5 =	vadd.f32 v41, v5;
	v4 =	vadd.f32 v17, v4  }
0x46: {  	v14 =	vld [tilespmem:s16+$0x550]  }
0x47: {  	v43 =	vmul.f32 v16, v16;
	v5 =	vadd.f32 v42, v5;
	v4 =	vadd.f32 v16, v4  }
0x48: {  	v13 =	vld [tilespmem:s16+$0x560]  }
0x49: {  	v44 =	vmul.f32 v15, v15;
	v5 =	vadd.f32 v43, v5;
	v4 =	vadd.f32 v15, v4  }
0x4a: {  	v12 =	vld [tilespmem:s16+$0x570]  }
0x4b: {  	v45 =	vmul.f32 v14, v14;
	v5 =	vadd.f32 v44, v5;
	v4 =	vadd.f32 v14, v4  }
0x4c: {  	v11 =	vld [tilespmem:s16+$0x580]  }
0x4d: {  	v46 =	vmul.f32 v13, v13;
	v5 =	vadd.f32 v45, v5;
	v4 =	vadd.f32 v13, v4  }
0x4e: {  	v10 =	vld [tilespmem:s16+$0x590]  }
0x4f: {  	v47 =	vmul.f32 v12, v12;
	v5 =	vadd.f32 v46, v5;
	v4 =	vadd.f32 v12, v4  }
0x50: {  	v9 =	vld [tilespmem:s16+$0x5A0]  }
0x51: {  	v48 =	vmul.f32 v11, v11;
	v5 =	vadd.f32 v47, v5;
	v4 =	vadd.f32 v11, v4  }
0x52: {  	v8 =	vld [tilespmem:s16+$0x5B0]  }
0x53: {  	v49 =	vmul.f32 v10, v10;
	v5 =	vadd.f32 v48, v5;
	v4 =	vadd.f32 v10, v4  }
0x54: {  	v7 =	vld [tilespmem:s16+$0x5C0]  }
0x55: {  	v20 =	vmul.f32 v9, v9;
	v5 =	vadd.f32 v49, v5;
	v4 =	vadd.f32 v9, v4  }
0x56: {  	v6 =	vld [tilespmem:s16+$0x5D0]  }
0x57: {  	v21 =	vmul.f32 v8, v8;
	v20 =	vadd.f32 v20, v5;
	v4 =	vadd.f32 v8, v4  }
0x58: {  	v5 =	vld [tilespmem:s16+$0x5E0]  }
0x59: {  	v38 =	vmul.f32 v7, v7;
	v20 =	vadd.f32 v21, v20;
	v50 =	vadd.f32 v7, v4  }
0x5a: {  	v4 =	vld [tilespmem:s16+$0x5F0]  }
0x5b: {  	v51 =	vmul.f32 v6, v6;
	v20 =	vadd.f32 v38, v20;
	v21 =	vadd.f32 v6, v50;
	_ =	sdelay $0x1  }
0x5c: {  	v52 =	vmul.f32 v5, v5;
	v20 =	vadd.f32 v51, v20;
	v21 =	vadd.f32 v5, v21;
	_ =	sdelay $0x1  }
0x5d: {  	v20 =	vadd.f32 v52, v20;
	v53 =	vmul.f32 v4, v4;
	v21 =	vadd.f32 v4, v21;
	_ =	sdelay $0x1  }
0x5e: {  	v20 =	vadd.f32 v53, v20;
	v54 =	vperm.xlane v21, v0;
	_ =	sdelay $0x1  }
0x5f: {  	v55 =	vperm.xlane v20, v0;
	v21 =	vadd.f32 v54, v21;
	_ =	sdelay $0x1  }
0x60: {  	v20 =	vadd.f32 v55, v20;
	v39 =	vperm.xlane v21, v1;
	_ =	sdelay $0x1  }
0x61: {  	v38 =	vperm.xlane v20, v1;
	v21 =	vadd.f32 v39, v21;
	_ =	sdelay $0x1  }
0x62: {  	v20 =	vadd.f32 v38, v20;
	v39 =	vperm.xlane v21, v2;
	_ =	sdelay $0x1  }
0x63: {  	v38 =	vperm.xlane v20, v2;
	v21 =	vadd.f32 v39, v21;
	_ =	sdelay $0x1  }
0x64: {  	v20 =	vadd.f32 v38, v20;
	v39 =	vperm.xlane v21, v3;
	_ =	sdelay $0x1  }
0x65: {  	v38 =	vperm.xlane v20, v3;
	v21 =	vadd.f32 v39, v21;
	_ =	sdelay $0x1  }
0x66: {  	v20 =	vadd.f32 v38, v20;
	v21 =	vmul.f32 $1.953125000e-03, v21;
	_ =	sdelay $0x1  }
0x67: {  	v20 =	vmul.f32 $1.953125000e-03, v20;
	v56 =	vmul.f32 v21, v21;
	_ =	sdelay $0x1  }
0x68: {  	v20 =	vsub.f32 v20, v56;
	_ =	sdelay $0x1  }
0x69: {  	v20 =	vadd.f32 $9.999999740e-06, v20;
	_ =	sdelay $0x1  }
0x6a: {  	v57 =	vshrl.u32 v20, $0x1;
	v20 =	vmul.f32 $5.000000000e-01, v20  }
0x6b: {  	v38 =	vsub.s32 $0x5F3759DF, v57  }
0x6c: {  	v58 =	vmul.f32 v38, v20;
	_ =	sdelay $0x1  }
0x6d: {  	v39 =	vmul.f32 v38, v58;
	_ =	sdelay $0x1  }
0x6e: {  	v39 =	vsub.f32 $1.500000000e+00, v39;
	_ =	sdelay $0x1  }
0x6f: {  	v38 =	vmul.f32 v38, v39;
	_ =	sdelay $0x1  }
0x70: {  	v39 =	vmul.f32 v38, v20;
	_ =	sdelay $0x1  }
0x71: {  	v39 =	vmul.f32 v39, v38;
	_ =	sdelay $0x1  }
0x72: {  	v39 =	vsub.f32 $1.500000000e+00, v39;
	_ =	sdelay $0x1  }
0x73: {  	v38 =	vmul.f32 v39, v38;
	_ =	sdelay $0x1  }
0x74: {  	v20 =	vmul.f32 v38, v20;
	_ =	sdelay $0x1  }
0x75: {  	v20 =	vmul.f32 v20, v38;
	_ =	sdelay $0x1  }
0x76: {  	v20 =	vsub.f32 $1.500000000e+00, v20;
	_ =	sdelay $0x1  }
0x77: {  	v20 =	vmul.f32 v20, v38  }
0x78: {  	v59 =	vld [tilespmem:$0x0]  }
0x79: {  	v21 =	vmul.f32 v20, v21;
	v37 =	vmul.f32 v20, v37  }
0x7a: {  	v60 =	vld [tilespmem:$0x200]  }
0x7b: {  	v37 =	vsub.f32 v37, v21;
	_ =	sdelay $0x1  }
0x7c: {  	v37 =	vmul.f32 v37, v59;
	_ =	sdelay $0x1  }
0x7d: {  	v37 =	vadd.f32 v37, v60;
	_ =	sdelay $0x1  }
0x7e: {  	[tilespmem:s16+$0x400] =	vst v37  }
0x7f: {  	v37 =	vld [tilespmem:$0x10]  }
0x80: {  	v36 =	vmul.f32 v20, v36  }
0x81: {  	v61 =	vld [tilespmem:$0x210]  }
0x82: {  	v36 =	vsub.f32 v36, v21;
	_ =	sdelay $0x1  }
0x83: {  	v36 =	vmul.f32 v36, v37;
	_ =	sdelay $0x1  }
0x84: {  	v36 =	vadd.f32 v36, v61;
	_ =	sdelay $0x1  }
0x85: {  	[tilespmem:s16+$0x410] =	vst v36  }
0x86: {  	v36 =	vld [tilespmem:$0x20]  }
0x87: {  	v35 =	vmul.f32 v20, v35  }
0x88: {  	v62 =	vld [tilespmem:$0x220]  }
0x89: {  	v35 =	vsub.f32 v35, v21;
	_ =	sdelay $0x1  }
0x8a: {  	v35 =	vmul.f32 v35, v36;
	_ =	sdelay $0x1  }
0x8b: {  	v35 =	vadd.f32 v35, v62;
	_ =	sdelay $0x1  }
0x8c: {  	[tilespmem:s16+$0x420] =	vst v35  }
0x8d: {  	v35 =	vld [tilespmem:$0x30]  }
0x8e: {  	v34 =	vmul.f32 v20, v34  }
0x8f: {  	v63 =	vld [tilespmem:$0x230]  }
0x90: {  	v34 =	vsub.f32 v34, v21;
	_ =	sdelay $0x1  }
0x91: {  	v34 =	vmul.f32 v34, v35;
	_ =	sdelay $0x1  }
0x92: {  	v34 =	vadd.f32 v34, v63;
	_ =	sdelay $0x1  }
0x93: {  	[tilespmem:s16+$0x430] =	vst v34  }
0x94: {  	v34 =	vld [tilespmem:$0x40]  }
0x95: {  	v33 =	vmul.f32 v20, v33  }
0x96: {  	v36 =	vld [tilespmem:$0x240]  }
0x97: {  	v33 =	vsub.f32 v33, v21;
	_ =	sdelay $0x1  }
0x98: {  	v33 =	vmul.f32 v33, v34;
	_ =	sdelay $0x1  }
0x99: {  	v33 =	vadd.f32 v33, v36;
	_ =	sdelay $0x1  }
0x9a: {  	[tilespmem:s16+$0x440] =	vst v33  }
0x9b: {  	v33 =	vld [tilespmem:$0x50]  }
0x9c: {  	v32 =	vmul.f32 v20, v32  }
0x9d: {  	v37 =	vld [tilespmem:$0x250]  }
0x9e: {  	v32 =	vsub.f32 v32, v21;
	_ =	sdelay $0x1  }
0x9f: {  	v32 =	vmul.f32 v32, v33;
	_ =	sdelay $0x1  }
0xa0: {  	v32 =	vadd.f32 v32, v37;
	_ =	sdelay $0x1  }
0xa1: {  	[tilespmem:s16+$0x450] =	vst v32  }
0xa2: {  	v32 =	vld [tilespmem:$0x60]  }
0xa3: {  	v31 =	vmul.f32 v20, v31  }
0xa4: {  	v38 =	vld [tilespmem:$0x260]  }
0xa5: {  	v31 =	vsub.f32 v31, v21;
	_ =	sdelay $0x1  }
0xa6: {  	v31 =	vmul.f32 v31, v32;
	_ =	sdelay $0x1  }
0xa7: {  	v31 =	vadd.f32 v31, v38;
	_ =	sdelay $0x1  }
0xa8: {  	[tilespmem:s16+$0x460] =	vst v31  }
0xa9: {  	v31 =	vld [tilespmem:$0x70]  }
0xaa: {  	v30 =	vmul.f32 v20, v30  }
0xab: {  	v39 =	vld [tilespmem:$0x270]  }
0xac: {  	v30 =	vsub.f32 v30, v21;
	_ =	sdelay $0x1  }
0xad: {  	v30 =	vmul.f32 v31, v30;
	_ =	sdelay $0x1  }
0xae: {  	v30 =	vadd.f32 v39, v30;
	_ =	sdelay $0x1  }
0xaf: {  	[tilespmem:s16+$0x470] =	vst v30  }
0xb0: {  	v30 =	vld [tilespmem:$0x80]  }
0xb1: {  	v29 =	vmul.f32 v20, v29  }
0xb2: {  	v40 =	vld [tilespmem:$0x280]  }
0xb3: {  	v29 =	vsub.f32 v29, v21;
	_ =	sdelay $0x1  }
0xb4: {  	v29 =	vmul.f32 v30, v29;
	_ =	sdelay $0x1  }
0xb5: {  	v29 =	vadd.f32 v40, v29;
	_ =	sdelay $0x1  }
0xb6: {  	[tilespmem:s16+$0x480] =	vst v29  }
0xb7: {  	v29 =	vld [tilespmem:$0x90]  }
0xb8: {  	v28 =	vmul.f32 v20, v28  }
0xb9: {  	v41 =	vld [tilespmem:$0x290]  }
0xba: {  	v28 =	vsub.f32 v28, v21;
	_ =	sdelay $0x1  }
0xbb: {  	v28 =	vmul.f32 v29, v28;
	_ =	sdelay $0x1  }
0xbc: {  	v28 =	vadd.f32 v41, v28;
	_ =	sdelay $0x1  }
0xbd: {  	[tilespmem:s16+$0x490] =	vst v28  }
0xbe: {  	v28 =	vld [tilespmem:$0xA0]  }
0xbf: {  	v27 =	vmul.f32 v20, v27  }
0xc0: {  	v42 =	vld [tilespmem:$0x2A0]  }
0xc1: {  	v27 =	vsub.f32 v27, v21;
	_ =	sdelay $0x1  }
0xc2: {  	v27 =	vmul.f32 v28, v27;
	_ =	sdelay $0x1  }
0xc3: {  	v27 =	vadd.f32 v42, v27;
	_ =	sdelay $0x1  }
0xc4: {  	[tilespmem:s16+$0x4A0] =	vst v27  }
0xc5: {  	v27 =	vld [tilespmem:$0xB0]  }
0xc6: {  	v26 =	vmul.f32 v20, v26  }
0xc7: {  	v43 =	vld [tilespmem:$0x2B0]  }
0xc8: {  	v26 =	vsub.f32 v26, v21;
	_ =	sdelay $0x1  }
0xc9: {  	v26 =	vmul.f32 v27, v26;
	_ =	sdelay $0x1  }
0xca: {  	v26 =	vadd.f32 v43, v26;
	_ =	sdelay $0x1  }
0xcb: {  	[tilespmem:s16+$0x4B0] =	vst v26  }
0xcc: {  	v26 =	vld [tilespmem:$0xC0]  }
0xcd: {  	v25 =	vmul.f32 v20, v25  }
0xce: {  	v44 =	vld [tilespmem:$0x2C0]  }
0xcf: {  	v25 =	vsub.f32 v25, v21;
	_ =	sdelay $0x1  }
0xd0: {  	v25 =	vmul.f32 v26, v25;
	_ =	sdelay $0x1  }
0xd1: {  	v25 =	vadd.f32 v44, v25;
	_ =	sdelay $0x1  }
0xd2: {  	[tilespmem:s16+$0x4C0] =	vst v25  }
0xd3: {  	v25 =	vld [tilespmem:$0xD0]  }
0xd4: {  	v24 =	vmul.f32 v20, v24  }
0xd5: {  	v45 =	vld [tilespmem:$0x2D0]  }
0xd6: {  	v24 =	vsub.f32 v24, v21;
	_ =	sdelay $0x1  }
0xd7: {  	v24 =	vmul.f32 v25, v24;
	_ =	sdelay $0x1  }
0xd8: {  	v24 =	vadd.f32 v45, v24;
	_ =	sdelay $0x1  }
0xd9: {  	[tilespmem:s16+$0x4D0] =	vst v24  }
0xda: {  	v24 =	vld [tilespmem:$0xE0]  }
0xdb: {  	v23 =	vmul.f32 v20, v23  }
0xdc: {  	v46 =	vld [tilespmem:$0x2E0]  }
0xdd: {  	v23 =	vsub.f32 v23, v21;
	_ =	sdelay $0x1  }
0xde: {  	v23 =	vmul.f32 v24, v23;
	_ =	sdelay $0x1  }
0xdf: {  	v23 =	vadd.f32 v46, v23;
	_ =	sdelay $0x1  }
0xe0: {  	[tilespmem:s16+$0x4E0] =	vst v23  }
0xe1: {  	v23 =	vld [tilespmem:$0xF0]  }
0xe2: {  	v22 =	vmul.f32 v20, v22  }
0xe3: {  	v47 =	vld [tilespmem:$0x2F0]  }
0xe4: {  	v22 =	vsub.f32 v22, v21;
	_ =	sdelay $0x1  }
0xe5: {  	v22 =	vmul.f32 v23, v22;
	_ =	sdelay $0x1  }
0xe6: {  	v22 =	vadd.f32 v47, v22;
	_ =	sdelay $0x1  }
0xe7: {  	[tilespmem:s16+$0x4F0] =	vst v22  }
0xe8: {  	v22 =	vld [tilespmem:$0x100]  }
0xe9: {  	v19 =	vmul.f32 v20, v19  }
0xea: {  	v48 =	vld [tilespmem:$0x300]  }
0xeb: {  	v19 =	vsub.f32 v19, v21;
	_ =	sdelay $0x1  }
0xec: {  	v19 =	vmul.f32 v22, v19;
	_ =	sdelay $0x1  }
0xed: {  	v19 =	vadd.f32 v48, v19;
	_ =	sdelay $0x1  }
0xee: {  	[tilespmem:s16+$0x500] =	vst v19  }
0xef: {  	v19 =	vld [tilespmem:$0x110]  }
0xf0: {  	v18 =	vmul.f32 v20, v18  }
0xf1: {  	v49 =	vld [tilespmem:$0x310]  }
0xf2: {  	v18 =	vsub.f32 v18, v21;
	_ =	sdelay $0x1  }
0xf3: {  	v18 =	vmul.f32 v19, v18;
	_ =	sdelay $0x1  }
0xf4: {  	v18 =	vadd.f32 v49, v18;
	_ =	sdelay $0x1  }
0xf5: {  	[tilespmem:s16+$0x510] =	vst v18  }
0xf6: {  	v18 =	vld [tilespmem:$0x120]  }
0xf7: {  	v17 =	vmul.f32 v20, v17  }
0xf8: {  	v50 =	vld [tilespmem:$0x320]  }
0xf9: {  	v17 =	vsub.f32 v17, v21;
	_ =	sdelay $0x1  }
0xfa: {  	v17 =	vmul.f32 v18, v17;
	_ =	sdelay $0x1  }
0xfb: {  	v17 =	vadd.f32 v50, v17;
	_ =	sdelay $0x1  }
0xfc: {  	[tilespmem:s16+$0x520] =	vst v17  }
0xfd: {  	v17 =	vld [tilespmem:$0x130]  }
0xfe: {  	v16 =	vmul.f32 v20, v16  }
0xff: {  	v51 =	vld [tilespmem:$0x330]  }
0x100: {  	v16 =	vsub.f32 v16, v21;
	_ =	sdelay $0x1  }
0x101: {  	v16 =	vmul.f32 v17, v16;
	_ =	sdelay $0x1  }
0x102: {  	v16 =	vadd.f32 v51, v16;
	_ =	sdelay $0x1  }
0x103: {  	[tilespmem:s16+$0x530] =	vst v16  }
0x104: {  	v16 =	vld [tilespmem:$0x140]  }
0x105: {  	v15 =	vmul.f32 v20, v15  }
0x106: {  	v52 =	vld [tilespmem:$0x340]  }
0x107: {  	v15 =	vsub.f32 v15, v21;
	_ =	sdelay $0x1  }
0x108: {  	v15 =	vmul.f32 v16, v15;
	_ =	sdelay $0x1  }
0x109: {  	v15 =	vadd.f32 v52, v15;
	_ =	sdelay $0x1  }
0x10a: {  	[tilespmem:s16+$0x540] =	vst v15  }
0x10b: {  	v15 =	vld [tilespmem:$0x150]  }
0x10c: {  	v14 =	vmul.f32 v20, v14  }
0x10d: {  	v53 =	vld [tilespmem:$0x350]  }
0x10e: {  	v14 =	vsub.f32 v14, v21;
	_ =	sdelay $0x1  }
0x10f: {  	v14 =	vmul.f32 v15, v14;
	_ =	sdelay $0x1  }
0x110: {  	v14 =	vadd.f32 v53, v14;
	_ =	sdelay $0x1  }
0x111: {  	[tilespmem:s16+$0x550] =	vst v14  }
0x112: {  	v14 =	vld [tilespmem:$0x160]  }
0x113: {  	v13 =	vmul.f32 v20, v13  }
0x114: {  	v54 =	vld [tilespmem:$0x360]  }
0x115: {  	v13 =	vsub.f32 v13, v21;
	_ =	sdelay $0x1  }
0x116: {  	v13 =	vmul.f32 v14, v13;
	_ =	sdelay $0x1  }
0x117: {  	v13 =	vadd.f32 v54, v13;
	_ =	sdelay $0x1  }
0x118: {  	[tilespmem:s16+$0x560] =	vst v13  }
0x119: {  	v13 =	vld [tilespmem:$0x170]  }
0x11a: {  	v12 =	vmul.f32 v20, v12  }
0x11b: {  	v55 =	vld [tilespmem:$0x370]  }
0x11c: {  	v12 =	vsub.f32 v12, v21;
	_ =	sdelay $0x1  }
0x11d: {  	v12 =	vmul.f32 v13, v12;
	_ =	sdelay $0x1  }
0x11e: {  	v12 =	vadd.f32 v55, v12;
	_ =	sdelay $0x1  }
0x11f: {  	[tilespmem:s16+$0x570] =	vst v12  }
0x120: {  	v12 =	vld [tilespmem:$0x180]  }
0x121: {  	v11 =	vmul.f32 v20, v11  }
0x122: {  	v56 =	vld [tilespmem:$0x380]  }
0x123: {  	v11 =	vsub.f32 v11, v21;
	_ =	sdelay $0x1  }
0x124: {  	v11 =	vmul.f32 v12, v11;
	_ =	sdelay $0x1  }
0x125: {  	v11 =	vadd.f32 v56, v11;
	_ =	sdelay $0x1  }
0x126: {  	[tilespmem:s16+$0x580] =	vst v11  }
0x127: {  	v11 =	vld [tilespmem:$0x190]  }
0x128: {  	v10 =	vmul.f32 v20, v10  }
0x129: {  	v57 =	vld [tilespmem:$0x390]  }
0x12a: {  	v10 =	vsub.f32 v10, v21;
	_ =	sdelay $0x1  }
0x12b: {  	v10 =	vmul.f32 v11, v10;
	_ =	sdelay $0x1  }
0x12c: {  	v10 =	vadd.f32 v57, v10;
	_ =	sdelay $0x1  }
0x12d: {  	[tilespmem:s16+$0x590] =	vst v10  }
0x12e: {  	v10 =	vld [tilespmem:$0x1A0]  }
0x12f: {  	v9 =	vmul.f32 v20, v9  }
0x130: {  	v58 =	vld [tilespmem:$0x3A0]  }
0x131: {  	v9 =	vsub.f32 v9, v21;
	_ =	sdelay $0x1  }
0x132: {  	v9 =	vmul.f32 v10, v9;
	_ =	sdelay $0x1  }
0x133: {  	v9 =	vadd.f32 v58, v9;
	_ =	sdelay $0x1  }
0x134: {  	[tilespmem:s16+$0x5A0] =	vst v9  }
0x135: {  	v9 =	vld [tilespmem:$0x1B0]  }
0x136: {  	v8 =	vmul.f32 v20, v8  }
0x137: {  	v59 =	vld [tilespmem:$0x3B0]  }
0x138: {  	v8 =	vsub.f32 v8, v21;
	_ =	sdelay $0x1  }
0x139: {  	v8 =	vmul.f32 v9, v8;
	_ =	sdelay $0x1  }
0x13a: {  	v8 =	vadd.f32 v59, v8;
	_ =	sdelay $0x1  }
0x13b: {  	[tilespmem:s16+$0x5B0] =	vst v8  }
0x13c: {  	v8 =	vld [tilespmem:$0x1C0]  }
0x13d: {  	v7 =	vmul.f32 v20, v7  }
0x13e: {  	v60 =	vld [tilespmem:$0x3C0]  }
0x13f: {  	v7 =	vsub.f32 v7, v21;
	_ =	sdelay $0x1  }
0x140: {  	v7 =	vmul.f32 v8, v7;
	_ =	sdelay $0x1  }
0x141: {  	v7 =	vadd.f32 v60, v7;
	_ =	sdelay $0x1  }
0x142: {  	[tilespmem:s16+$0x5C0] =	vst v7  }
0x143: {  	v7 =	vld [tilespmem:$0x1D0]  }
0x144: {  	v6 =	vmul.f32 v20, v6  }
0x145: {  	v61 =	vld [tilespmem:$0x3D0]  }
0x146: {  	v6 =	vsub.f32 v6, v21;
	_ =	sdelay $0x1  }
0x147: {  	v6 =	vmul.f32 v7, v6;
	_ =	sdelay $0x1  }
0x148: {  	v6 =	vadd.f32 v61, v6;
	_ =	sdelay $0x1  }
0x149: {  	[tilespmem:s16+$0x5D0] =	vst v6  }
0x14a: {  	v6 =	vld [tilespmem:$0x1E0]  }
0x14b: {  	v5 =	vmul.f32 v20, v5  }
0x14c: {  	v62 =	vld [tilespmem:$0x3E0]  }
0x14d: {  	v5 =	vsub.f32 v5, v21;
	_ =	sdelay $0x1  }
0x14e: {  	v5 =	vmul.f32 v6, v5;
	_ =	sdelay $0x1  }
0x14f: {  	v5 =	vadd.f32 v62, v5;
	_ =	sdelay $0x1  }
0x150: {  	[tilespmem:s16+$0x5E0] =	vst v5  }
0x151: {  	v5 =	vld [tilespmem:$0x1F0]  }
0x152: {  	v4 =	vmul.f32 v20, v4  }
0x153: {  	v63 =	vld [tilespmem:$0x3F0]  }
0x154: {  	v4 =	vsub.f32 v4, v21  }
0x155: {  	p0 =	sne.s32 s15, $0x3E000  }
.Ltmp0:
0x156: {  	v4 =	vmul.f32 v5, v4;
	(pc) =	sbr.rel @p0 .LBB2_3-.Ltmp0, $3  }
0x157: {  	_ = 	snop  }
0x158: {  	v4 =	vadd.f32 v63, v4;
	_ =	sdelay $0x1  }
0x159: {  	s15 =	sadd.s32 $0x800, s15;
	[tilespmem:s16+$0x5F0] =	vst v4  }
0x15a: {  	s13 =	sadd.s32 $0x1, s13  }
0x15b: {  	p0 =	sne.s32 s13, $0x19  }
.Ltmp1:
0x15c: {  	s14 =	sadd.s32 s6, s14;
	(pc) =	sbr.rel @p0 .LBB2_2-.Ltmp1, $4  }
0x15d: {  	[hbm4b:s14+s4] =	stream.linear.scatter [tilespmem:s11], [sflag:$0x1], $0xFA00, $0x38;
	[tilespmem:$0xFE00] =	vst v63  }
0x15e: {  	_ =	swait.ge [sflag:s9], $0xFA00  }
0x15f: {  	[sflag:s9] =	ssyncset.done $0x0  }
0x160: {  	[sflag:s9] =	ssyncadd.s32 $0xFFFF0600  }
0x161: {  	s12 =	sadd.s32 $0x1, s12  }
0x162: {  	p0 =	sne.s32 s12, s8  }
.Ltmp2:
0x163: {  	_ = 	snop;
	(pc) =	sbr.rel @p0 .LBB2_1-.Ltmp2, $1  }
0x164: {  	_ =	sdelay $0x3  }
0x165: {  	_ =	sfence.sel $0x180000  }
0x166: {  	[bflag:$0x0] =	sbarrier.arrive $0xFFFF  }
0x167: {  	p0 =	sne.s32 s5, $0x0;
	_ =	strace $0x9000004A  }
0x168: {  	s0 =	sadd.s32 @!p0 $0x100000, s3;
	[bflag:$0x2] =	sbarrier.arrive $0xFFFF  }
0x169: {  	[sflag:s0] =	ssyncadd.tile.s32 @!p0 $0x1;
	_ =	shalt  }
.Lfunc_end2:
_tile_overlayer_lowered:
.L_overlay_start_2:
0x16a: {  	(tag) =	ssettag $0x2  }
0x16b: {  	s0 =	rddreg [dreg:$0x0];
	s2 =	stileid.u32  }
0x16c: {  	s1 =	rddreg [dreg:$0x1];
	p0 =	sne.s32 s2, $0x0  }
0x16d: {  	s3 =	rddreg [dreg:$0x2];
	[bflag:$0x3] =	sbarrier.arrive $0xFFFF;
	s2 =	simm.s32 @!p0 $0x1C01  }
0x16e: {  	[timem:s3], [sflag:s2] =	dma.local @!p0 [hbm:s0], s1  }
0x16f: {  	s0 =	simm.s32 @!p0 $0x1  }
0x170: {  	_ =	swait.ge @!p0 [sflag:s0], s1  }
0x171: {  	s1 =	ssub.s32 @!p0 $0x0, s1;
	[sflag:s0] =	ssyncset.done @!p0 $0x0  }
0x172: {  	[sflag:s0] =	ssyncadd.s32 @!p0 s1  }
0x173: {  	[bflag:$0x3] =	sbarrier.arrive $0xFFFF  }
0x174: {  	_ =	shalt  }

// kernel: sparse-core-data-format-call.cloned.1.call-start
scs
called_computation_lowered:
.L_overlay_start_0:
0x0: {  	s2 =	sld [smem:$0x3FD9]  }
0x1: {  	s3 =	sld [smem:$0x3FFE];
	_ =	sdelay $0x1  }
0x2: {  	s1 =	srdreg.scid  }
0x3: {  	s0 =	sand.u32 $0x1, s1  }
0x4: {  	s19 =	sshll.u32 s0, $0xA;
	s2 =	sadd.s32 s3, s2  }
0x5: {  	s2 =	sadd.s32 s2, s19  }
0x6: {  	[smem:$0x3FC5] =	sst s2  }
0x7: {  	_ = 	snop  }
0x8: {  	s2 =	sld [smem:$0x3FC9]  }
0x9: {  	s20 =	sld [smem:$0x3FD0];
	(tm) =	ssettm $0x1  }
0xa: {  	s4 =	sld [smem:$0x3FFB];
	_ =	sdelay $0x3  }
0xb: {  	_ =	strace s4  }
0xc: {  	s4 =	sld [smem:$0x3FFC];
	_ =	sdelay $0x3  }
0xd: {  	_ =	strace s4  }
0xe: {  	s4 =	sld [smem:$0x3FFD];
	_ =	sdelay $0x3  }
0xf: {  	_ =	strace s4  }
0x10: {  	_ =	strace $0x8FFFFFFF  }
0x11: {  	s21 =	sld [smem:$0x3FDB];
	_ =	sdelay $0x1  }
0x12: {  	s5 =	simm.s32 $_scs_section_size  }
0x13: {  	s6 =	simm.s32 $_size__tile_overlayer_lowered;
	s7 =	simm.s32 $_tile_overlayer_lowered  }
0x14: {  	s24 =	simm.s32 $0x1BFF;
	s23 =	sshll.u32 s7, $0x1;
	s4 =	sadd.s32 s5, s21  }
0x15: {  	s8 =	simm.s32 $0x0;
	s22 =	sshll.u32 s6, $0x1;
	s6 =	sadd.s32 s23, s4  }
0x16: {  	[timem:s8], [sflag:s24] =	dma.local [hbm:s6], s22  }
0x17: {  	_ =	swait.ge [sflag:s24], s22  }
0x18: {  	s5 =	ssub.s32 $0x0, s22;
	[sflag:s24] =	ssyncset.done $0x0  }
0x19: {  	[sflag:s24] =	ssyncadd.s32 s5;
	_ =	sdelay $0x1  }
0x1a: {  	s25 =	simm.s32 $0x1B8B  }
0x1b: {  	_ =	swait.ge [sflag:s25], $0x1  }
0x1c: {  	[sflag:s25] =	ssyncset.done $0x0  }
0x1d: {  	s26 =	simm.s32 $0x1B8E;
	[sflag:s25] =	ssyncadd.s32 $0xFFFFFFFF  }
0x1e: {  	s27 =	simm.s32 $execute0_lowered;
	[smem:$0x3FD2] =	sst s26  }
0x1f: {  	s5 =	sshll.u32 s27, $0x1;
	_ =	strace $0x80000046;
	[dreg:$0x1] =	wrdreg $0xFFFFFFFF  }
0x20: {  	s28 =	simm.s32 $_size_execute0_lowered;
	s4 =	sadd.s32 s4, s5;
	[dreg:$0x0] =	wrdreg $0x0  }
0x21: {  	s5 =	sshll.u32 s28, $0x1;
	[dreg:$0x2] =	wrdreg s4  }
0x22: {  	[dreg:$0x3] =	wrdreg s5  }
0x23: {  	[dreg:$0x4] =	wrdreg $0xC0  }
0x24: {  	_ =	task [dreg:s8], $0x5FFFF  }
0x25: {  	[dreg:$0x1] =	wrdreg $0xFFFFFFFF  }
0x26: {  	[dreg:$0x0] =	wrdreg $0x60  }
0x27: {  	[dreg:$0x2] =	wrdreg s2  }
0x28: {  	[dreg:$0x3] =	wrdreg s20  }
0x29: {  	[dreg:$0x4] =	wrdreg $0x9  }
0x2a: {  	_ =	task.clear_ibuf [dreg:s8], $0x5FFFF;
	_ =	strace $0x90000046  }
0x2b: {  	s29 =	simm.s32 $0x9;
	_ =	strace $0x80000048  }
0x2c: {  	_ =	swait.ge [sflag:s29], $0x1  }
0x2d: {  	[sflag:s29] =	ssyncadd.s32 $0xFFFFFFFF  }
0x2e: {  	_ =	strace $0x90000048  }
0x2f: {  	_ =	sfence  }
0x30: {  	s30 =	sld [smem:$0x0];
	_ =	sdelay $0x2  }
0x31: {  	s31 =	sshll.u32 s1, $0xD;
	s1 =	sshrl.u32 s1, $0x2  }
0x32: {  	s3 =	sand.u32 $0x4000, s31;
	s1 =	sadd.s32 s1, s30  }
0x33: {  	s0 =	sor.u32 s3, s0;
	s1 =	sshll.u32 s1, $0x11  }
0x34: {  	s0 =	sor.u32 s1, s0  }
0x35: {  	s0 =	sadd.s32 $0x8F2B, s0  }
0x36: {  	[sflag:s0] =	ssyncadd.remote.s32 $0x1  }
0x37: {  	_ =	sfence.sel $0xFFFF  }
0x38: {  	[dreg:$0x0] =	wrdreg $0xFFFFFFFF;
	(pc) =	sbr.abs _section_cstart, $3  }
0x39: {  	[dreg:$0x1] =	wrdreg $0xFFFFFFFF  }
0x3a: {  	_ =	task.clear_ibuf [dreg:s8], $0x2FFFF;
	_ =	strace $0x9FFFFFFF  }
0x3b: {  	(tm) =	ssettm $0x7FFFFFFF  }
tec
execute0_lowered:
.L_overlay_start_1:
0x0: {  	(tag) =	ssettag $0x1  }
0x1: {  	s0 =	srdreg.scid  }
0x2: {  	s1 =	sshll.u32 s0, $0x4  }
0x3: {  	s2 =	rddreg [dreg:$0x0];
	s0 =	stileid.u32;
	s1 =	sand.u32 $0x10, s1  }
0x4: {  	s4 =	rddreg [dreg:$0x1];
	s1 =	sor.u32 s0, s1  }
0x5: {  	s7 =	simm.s32 $0x1;
	s8 =	simm.s32 $0x2;
	s3 =	sshll.u32 s1, $0x2  }
0x6: {  	s9 =	simm.s32 $0x0;
	s12 =	simm.s32 $0x0;
	s6 =	ssub.s32 $0x30D4, s3  }
.Ltmp0:
0x7: {  	s11 =	simm.s32 $0x0;
	s5 =	sand.u32 $0x7C, s6;
	(pc) =	sbr.rel .LBB1_1-.Ltmp0, $4  }
0x8: {  	s1 =	rddreg [dreg:$0x2];
	_ =	strace $0x80000047;
	p0 =	sne.s32 s5, $0x0  }
0x9: {  	s6 =	sshrl.u32 s6, $0x7;
	s5 =	simm.s32 $0x1;
	s7 =	simm.s32 @!p0 $0x0  }
0xa: {  	s10 =	smov.u32 s3;
	[sflag:s5] =	ssyncpa.u1 $0x0;
	s6 =	sadd.s32 s7, s6  }
0xb: {  	[sflag:s8] =	ssyncpa.u1 $0x0;
	s8 =	simm.s32 $0x0;
	s7 =	sadd.s32 $0x1, s6  }
.LBB1_9:
0xc: {  	s14 =	sadd.s32 $0x80, s10  }
0xd: {  	p1 =	sgt.s32 s14, $0x30D3  }
0xe: {  	s14 =	smov.u32 @p1 s3;
	p1 =	sne.s32 s11, s7  }
.Ltmp1:
0xf: {  	p0 =	slt.u32 s11, $0x2;
	(pc) =	sbr.rel @!p1 .LBB1_10-.Ltmp1, $4  }
0x10: {  	s13 =	simm.s32 @!p0 $0x2  }
0x11: {  	s15 =	sadd.s32 $0x1, s11;
	_ =	swait.ge @!p0 [sflag:s13], $0x4000  }
0x12: {  	s12 =	smov.u32 s10;
	s9 =	sadd.s32 $0x4000, s9;
	[sflag:s13] =	ssyncset.done @!p0 $0x0  }
0x13: {  	s11 =	smov.u32 s15;
	s10 =	smov.u32 s14;
	[sflag:s13] =	ssyncadd.s32 @!p0 $0xFFFFC000  }
.LBB1_1:
0x14: {  	p0 =	sge.u32 s11, s6  }
0x15: {  	s13 =	sxor.u32 @!p0 $0xFFFFFFFF, s11  }
0x16: {  	s31 =	sadd.s32 $0xFFFFFFFF, s11;
	s14 =	sshll.u32 @!p0 s10, $0x9;
	s13 =	sshll.u32 @!p0 s13, $0xE  }
0x17: {  	s15 =	simm.s32 @!p0 $0x0;
	s14 =	sadd.s32 @!p0 s2, s14;
	s13 =	sand.u32 @!p0 $0x4000, s13  }
0x18: {  	[tilespmem:s13], [sflag:$0x1] =	stream.linear.gather @!p0 [hbm4b:s14+s15], $0x4000, $0x38;
	[tilespmem:$0x10000] =	vst v63  }
0x19: {  	p0 =	sge.u32 s31, s6  }
.Ltmp2:
0x1a: {  	_ = 	snop;
	(pc) =	sbr.rel @p0 .LBB1_9-.Ltmp2, $1  }
0x1b: {  	_ =	sdelay $0x3  }
0x1c: {  	s14 =	sand.u32 $0x4000, s9  }
0x1d: {  	_ =	swait.ge [sflag:s5], $0x4000;
	s15 =	sshll.u32 s11, $0xE;
	s16 =	simm.s32 $0x0  }
0x1e: {  	s13 =	sor.u32 $0x40, s14;
	[sflag:s5] =	ssyncset.done $0x0;
	s15 =	sand.u32 $0x4000, s15  }
0x1f: {  	s14 =	sor.u32 $0x8040, s14;
	[sflag:s5] =	ssyncadd.s32 $0xFFFFC000;
	s15 =	sor.u32 $0x8000, s15  }
.LBB1_3:
0x20: {  	s17 =	smov.u32 s14;
	s18 =	smov.u32 s13;
	s19 =	simm.s32 $0x0  }
.LBB1_4:
0x21: {  	v0 =	vmov s17;
	v2 =	vld [tilespmem:s18+$0x30]  }
0x22: {  	v4 =	vld [tilespmem:s18+$0xFFFFFFD0]  }
0x23: {  	v6 =	vld [tilespmem:s18+$0xFFFFFFE0]  }
0x24: {  	v7 =	vld [tilespmem:s18+$0xFFFFFFF0]  }
0x25: {  	s20 =	simm.s32 $0x0;
	v1 =	vld [tilespmem:s18+$0x0]  }
0x26: {  	v3 =	vld [tilespmem:s18+$0x10];
	[tilespmem:v0+s20+$0x30 ss:$0x1] =	vst.idx.msk $0xffff, v2  }
0x27: {  	v5 =	vld [tilespmem:s18+$0x20];
	[tilespmem:v0+s20+$0xFFFFFFD0 ss:$0x1] =	vst.idx.msk $0xffff, v4  }
0x28: {  	s21 =	sadd.s32 $0x80, s18;
	v2 =	vld [tilespmem:s18+$0xFFFFFFC0];
	[tilespmem:v0+s20+$0xFFFFFFE0 ss:$0x1] =	vst.idx.msk $0xffff, v6  }
0x29: {  	s22 =	simm.s32 $0x800;
	s23 =	simm.s32 $0x1000;
	v4 =	vld [tilespmem:s21+$0x30];
	[tilespmem:v0+s20+$0xFFFFFFF0 ss:$0x1] =	vst.idx.msk $0xffff, v7  }
.LBB1_5:
0x2a: {  	p0 =	sne.s32 s23, $0x3800;
	v6 =	vld [tilespmem:s21+$0xFFFFFFD0];
	[tilespmem:v0+s20+$0x0 ss:$0x1] =	vst.idx.msk $0xffff, v1  }
0x2b: {  	v7 =	vld [tilespmem:s21+$0xFFFFFFE0];
	[tilespmem:v0+s20+$0x10 ss:$0x1] =	vst.idx.msk $0xffff, v3  }
0x2c: {  	v8 =	vld [tilespmem:s21+$0xFFFFFFF0];
	[tilespmem:v0+s20+$0x20 ss:$0x1] =	vst.idx.msk $0xffff, v5  }
.Ltmp3:
0x2d: {  	v1 =	vld [tilespmem:s21+$0x0];
	[tilespmem:v0+s20+$0xFFFFFFC0 ss:$0x1] =	vst.idx.msk $0xffff, v2;
	s20 =	sshra.s32 s22, $0x2;
	s22 =	smov.u32 s23;
	(pc) =	sbr.rel @p0 .LBB1_5-.Ltmp3, $4  }
0x2e: {  	v3 =	vld [tilespmem:s21+$0x10];
	[tilespmem:v0+s20+$0x30 ss:$0x1] =	vst.idx.msk $0xffff, v4  }
0x2f: {  	[tilespmem:v0+s20+$0xFFFFFFD0 ss:$0x1] =	vst.idx.msk $0xffff, v6;
	v5 =	vld [tilespmem:s21+$0x20]  }
0x30: {  	v2 =	vld [tilespmem:s21+$0xFFFFFFC0];
	[tilespmem:v0+s20+$0xFFFFFFE0 ss:$0x1] =	vst.idx.msk $0xffff, v7;
	s21 =	sadd.s32 $0x80, s21  }
0x31: {  	s23 =	sadd.s32 $0x800, s23;
	v4 =	vld [tilespmem:s21+$0x30];
	[tilespmem:v0+s20+$0xFFFFFFF0 ss:$0x1] =	vst.idx.msk $0xffff, v8  }
0x32: {  	_ =	sdelay $0x3  }
0x33: {  	v6 =	vld [tilespmem:s21+$0xFFFFFFD0];
	[tilespmem:v0+s20+$0x0 ss:$0x1] =	vst.idx.msk $0xffff, v1  }
0x34: {  	v58 =	vld [tilespmem:s21+$0xFFFFFFE0];
	[tilespmem:v0+s20+$0x10 ss:$0x1] =	vst.idx.msk $0xffff, v3  }
0x35: {  	v59 =	vld [tilespmem:s21+$0xFFFFFFF0];
	[tilespmem:v0+s20+$0x20 ss:$0x1] =	vst.idx.msk $0xffff, v5  }
0x36: {  	s22 =	sshra.s32 s22, $0x2;
	v60 =	vld [tilespmem:s21+$0x0];
	[tilespmem:v0+s20+$0xFFFFFFC0 ss:$0x1] =	vst.idx.msk $0xffff, v2  }
0x37: {  	v61 =	vld [tilespmem:s21+$0x10];
	[tilespmem:v0+s22+$0x30 ss:$0x1] =	vst.idx.msk $0xffff, v4  }
0x38: {  	v62 =	vld [tilespmem:s21+$0x20];
	s19 =	sadd.s32 $0x1, s19;
	[tilespmem:v0+s22+$0xFFFFFFD0 ss:$0x1] =	vst.idx.msk $0xffff, v6  }
0x39: {  	v63 =	vld [tilespmem:s21+$0xFFFFFFC0];
	p0 =	sne.s32 s19, $0x4;
	[tilespmem:v0+s22+$0xFFFFFFE0 ss:$0x1] =	vst.idx.msk $0xffff, v58  }
.Ltmp4:
0x3a: {  	[tilespmem:v0+s22+$0xFFFFFFF0 ss:$0x1] =	vst.idx.msk $0xffff, v59;
	(pc) =	sbr.rel @p0 .LBB1_4-.Ltmp4, $4  }
0x3b: {  	[tilespmem:v0+s22+$0x0 ss:$0x1] =	vst.idx.msk $0xffff, v60  }
0x3c: {  	[tilespmem:v0+s22+$0x10 ss:$0x1] =	vst.idx.msk $0xffff, v61  }
0x3d: {  	[tilespmem:v0+s22+$0x20 ss:$0x1] =	vst.idx.msk $0xffff, v62  }
0x3e: {  	s18 =	sadd.s32 $0x400, s18;
	s17 =	sadd.s32 $0x80, s17;
	[tilespmem:v0+s22+$0xFFFFFFC0 ss:$0x1] =	vst.idx.msk $0xffff, v63  }
0x3f: {  	s16 =	sadd.s32 $0x1, s16  }
0x40: {  	p0 =	sne.s32 s16, $0x4  }
.Ltmp5:
0x41: {  	_ = 	snop;
	(pc) =	sbr.rel @p0 .LBB1_3-.Ltmp5, $2  }
0x42: {  	_ =	sdelay $0x2  }
0x43: {  	s13 =	sadd.s32 $0x1000, s13;
	s14 =	sadd.s32 $0x1000, s14  }
.Ltmp6:
0x44: {  	(pc) =	sbr.rel .LBB1_9-.Ltmp6, $4  }
0x45: {  	_ = 	snop  }
0x46: {  	s12 =	sshll.u32 s12, $0x9  }
0x47: {  	s12 =	sadd.s32 s4, s12  }
0x48: {  	[hbm4b:s12+s8] =	stream.linear.scatter [tilespmem:s15], [sflag:$0x2], $0x4000, $0x38;
	[tilespmem:$0x10000] =	vst v63  }
.LBB1_10:
0x49: {  	_ =	sfence.sel $0x180000  }
0x4a: {  	s2 =	simm.s32 $0x1;
	[bflag:$0x0] =	sbarrier.arrive $0xFFFF  }
0x4b: {  	s31 =	simm.s32 $0x2;
	[sflag:s2] =	ssyncpa.u1 $0x1  }
0x4c: {  	[sflag:s31] =	ssyncpa.u1 $0x1  }
0x4d: {  	p0 =	sne.s32 s0, $0x0;
	_ =	strace $0x90000047  }
0x4e: {  	s0 =	sadd.s32 @!p0 $0x100000, s1;
	[bflag:$0x2] =	sbarrier.arrive $0xFFFF  }
0x4f: {  	[sflag:s0] =	ssyncadd.tile.s32 @!p0 $0x1;
	_ =	shalt  }
.Lfunc_end1:
_tile_overlayer_lowered:
.L_overlay_start_2:
0x50: {  	(tag) =	ssettag $0x2  }
0x51: {  	s0 =	rddreg [dreg:$0x0];
	s2 =	stileid.u32  }
0x52: {  	s1 =	rddreg [dreg:$0x1];
	p0 =	sne.s32 s2, $0x0  }
0x53: {  	s3 =	rddreg [dreg:$0x2];
	[bflag:$0x3] =	sbarrier.arrive $0xFFFF;
	s2 =	simm.s32 @!p0 $0x1C01  }
0x54: {  	[timem:s3], [sflag:s2] =	dma.local @!p0 [hbm:s0], s1  }
0x55: {  	s0 =	simm.s32 @!p0 $0x1  }
0x56: {  	_ =	swait.ge @!p0 [sflag:s0], s1  }
0x57: {  	s1 =	ssub.s32 @!p0 $0x0, s1;
	[sflag:s0] =	ssyncset.done @!p0 $0x0  }
0x58: {  	[sflag:s0] =	ssyncadd.s32 @!p0 s1  }
0x59: {  	[bflag:$0x3] =	sbarrier.arrive $0xFFFF  }
0x5a: {  	_ =	shalt  }

</sc_bundles>
